<compile_context>
chip_gen: v7x
topology: tpu7x:2x2x1
jax: 0.10.2.dev20260603
libtpu: 0.0.44.dev20260713+nightly
codegen_flags: <defaults>
</compile_context>

<pallas_src>
import functools

import jax
import jax.numpy as jnp
from jax.experimental import pallas as pl
from jax.experimental.pallas import tpu as pltpu
from jax.experimental.pallas import tpu_sc as plsc

DIM = 64
SEQ = 200
WINDOW = 128
K_WIN = 4


def _hash_body(t_ref, o_ref):
    t = t_ref[...]
    n, l = t.shape
    zcol = jnp.zeros((n, 1), jnp.int32)
    left = jnp.concatenate([zcol, t[:, :-1]], axis=1)
    carry = jnp.concatenate([jnp.zeros((1, 1), jnp.int32), t[:-1, -1:]], axis=0)
    lane = jax.lax.broadcasted_iota(jnp.int32, (n, l), 1)
    row = jax.lax.broadcasted_iota(jnp.int32, (n, l), 0)
    prev = jnp.where(lane == 0, carry, left)
    first = ((row * l + lane) % SEQ) == 0
    prev = jnp.where(first, t, prev)
    o_ref[...] = prev * 3 + t


def _bigram_idx(tok2d):
    return pl.pallas_call(
        _hash_body,
        out_shape=jax.ShapeDtypeStruct(tok2d.shape, jnp.int32),
    )(tok2d)


def _sc_gather(table_flat, idx_flat):
    n_rows = idx_flat.shape[0]
    n_windows = n_rows // WINDOW
    n_workers = 32
    wpw = n_windows // n_workers
    n_chunks = wpw // K_WIN
    chunk_rows = K_WIN * WINDOW
    mesh = plsc.VectorSubcoreMesh(core_axis_name="c", subcore_axis_name="s")

    @functools.partial(
        pl.kernel,
        out_type=jax.ShapeDtypeStruct((n_rows, 2 * DIM), jnp.float32),
        mesh=mesh,
        compiler_params=pltpu.CompilerParams(
            use_tc_tiling_on_sc=False,
            skip_device_barrier=True,
            disable_bounds_checks=True,
            disable_semaphore_checks=True,
        ),
        scratch_types=[
            pltpu.VMEM((wpw * WINDOW,), jnp.int32),
            pltpu.VMEM((chunk_rows, DIM), jnp.float32),
            pltpu.VMEM((chunk_rows, DIM), jnp.float32),
            pltpu.SemaphoreType.DMA,
            pltpu.SemaphoreType.DMA,
            pltpu.SemaphoreType.DMA,
            pltpu.SemaphoreType.DMA,
        ],
    )
    def k(table_hbm, idx_hbm, out_hbm, idx_all, buf_a, buf_b, gs_a, gs_b, ss_a, ss_b):
        i32 = jnp.int32
        table2d = table_hbm
        wid = jax.lax.axis_index("s") * i32(2) + jax.lax.axis_index("c")
        base0 = wid.astype(i32) * i32(wpw * WINDOW)

        pltpu.sync_copy(idx_hbm.at[pl.ds(base0, wpw * WINDOW)], idx_all)

        def gathers(c, buf, sem):
            copies = []
            for j in range(K_WIN):
                off = (c * i32(K_WIN) + i32(j)) * i32(WINDOW)
                copies.append(pltpu.make_async_copy(
                    table2d.at[idx_all.at[pl.ds(off, WINDOW)]],
                    buf.at[pl.ds(j * WINDOW, WINDOW)],
                    sem,
                ))
            return copies

        def fire(copies):
            for cp in copies:
                cp.start()

        def drain(copies):
            for cp in copies:
                cp.wait()

        def store(c, buf, sem):
            base = base0 + c * i32(chunk_rows)
            return pltpu.make_async_copy(
                buf, out_hbm.at[pl.ds(base, chunk_rows), pl.ds(0, DIM)], sem)

        fire(gathers(i32(0), buf_a, gs_a))
        fire(gathers(i32(1), buf_b, gs_b))

        @pl.loop(0, n_chunks, step=2)
        def _(c0):
            c = c0.astype(i32)

            drain(gathers(c, buf_a, gs_a))
            st_a = store(c, buf_a, ss_a)
            st_a.start()
            st_a.wait()

            @pl.when(c + i32(2) < i32(n_chunks))
            def _():
                fire(gathers(c + i32(2), buf_a, gs_a))

            drain(gathers(c + i32(1), buf_b, gs_b))
            st_b = store(c + i32(1), buf_b, ss_b)
            st_b.start()
            st_b.wait()

            @pl.when(c + i32(3) < i32(n_chunks))
            def _():
                fire(gathers(c + i32(3), buf_b, gs_b))

    return k(table_flat, idx_flat)


def kernel(token_ids, emb_weight):
    b, s = token_ids.shape
    with jax._src.config.enable_x64(False):
        tok2d = token_ids.astype(jnp.int32).reshape(b * s // WINDOW, WINDOW)
        idx2d = _bigram_idx(tok2d)
        out = _sc_gather(emb_weight[:400000], idx2d.reshape(-1))
        return out[:, :DIM].reshape(b, s, DIM)

# --- scband reference (transcript-rebuilt; emitter-appended) ---
"""Pipeline reference for scband-bigram-hash-42623255446165 (READ-ONLY COPY).

The authoritative reference and input builder live on the scoring server;
editing this copy changes nothing except your own understanding.
"""

import jax
jax.config.update("jax_enable_x64", True)
import jax.numpy as jnp
import numpy as np

HASH_SIZE = 1000000
DIM = 64
VOCAB = 100000
BATCH = 4096
SEQ = 200


def setup_inputs(seed: int = 0) -> dict:
    key = jax.random.key(seed)
    k1, k2 = jax.random.split(key)
    token_ids = jax.random.randint(k1, (BATCH, SEQ), 0, VOCAB, dtype=jnp.int64)
    # Module initializes the table with zeros; we use small random values so the
    # gather produces non-degenerate outputs for benchmarking/verification.
    emb_weight = jax.random.normal(k2, (HASH_SIZE, DIM), dtype=jnp.float32) * 0.02
    return {"token_ids": token_ids, "emb_weight": emb_weight}


def reference(token_ids, emb_weight):
    # prev token (first position repeats itself, matching torch.cat of [:, :1] and [:, :-1])
    prev = jnp.concatenate([token_ids[:, :1], token_ids[:, :-1]], axis=1)
    bigram_hash = (prev * 1000003 + token_ids) % HASH_SIZE
    return jnp.take(emb_weight, bigram_hash, axis=0)

if __name__ == "__main__":
    import jax
    _d = setup_inputs()
    print(jax.jit(kernel)(*tuple(_d.values())))

</pallas_src>

<mosaic_0001>
#map = affine_map<(d0, d1) -> (0, 0)>
#map1 = affine_map<(d0, d1) -> (0)>
module attributes {stable_mosaic.version = 14 : i64} {
  func.func @k(%arg0: i32, %arg1: i32, %arg2: memref<400000x64xf32, #tpu.memory_space<hbm>>, %arg3: memref<819200xi32, #tpu.memory_space<hbm>>, %arg4: memref<819200x128xf32, #tpu.memory_space<hbm>>, %arg5: memref<25600xi32, #tpu.memory_space<vmem>>, %arg6: memref<512x64xf32, #tpu.memory_space<vmem>>, %arg7: memref<512x64xf32, #tpu.memory_space<vmem>>, %arg8: memref<!tpu.dma_semaphore, #tpu.memory_space<semaphore_mem>>, %arg9: memref<!tpu.dma_semaphore, #tpu.memory_space<semaphore_mem>>, %arg10: memref<!tpu.dma_semaphore, #tpu.memory_space<semaphore_mem>>, %arg11: memref<!tpu.dma_semaphore, #tpu.memory_space<semaphore_mem>>) attributes {dimension_semantics = [#tpu.dimension_semantics<core_parallel>, #tpu.dimension_semantics<subcore_parallel>], iteration_bounds = array<i64: 2, 16>, scalar_prefetch = 0 : i64, scratch_operands = 7 : i64, tpu.core_type = #tpu.core_type<sc_vector_subcore>, window_params = [{transform_indices = #map}, {transform_indices = #map1}, {transform_indices = #map}]} {
    %mul3A = arith.constant 2 : i32
    %mul3A_0 = arith.muli %arg1, %mul3A : i32
    %add3A = arith.addi %mul3A_0, %arg0 : i32
    %mul3A_1 = arith.constant 25600 : i32
    %mul3A_2 = arith.muli %add3A, %mul3A_1 : i32
    "tpu.region"() ({
      %run_scoped3A = tpu.sem_alloc : memref<!tpu.dma_semaphore, #tpu.memory_space<semaphore_mem>>
      %dma_start3A_118 = tpu.memref_slice %arg3[%mul3A_2] : memref<819200xi32, #tpu.memory_space<hbm>> -> memref<25600xi32, #tpu.memory_space<hbm>>
      %dma_start3A_119 = tpu.memref_slice %arg3[%mul3A_2] : memref<819200xi32, #tpu.memory_space<hbm>> -> memref<25600xi32, #tpu.memory_space<hbm>>
      tpu.enqueue_dma source(%dma_start3A_119 : memref<25600xi32, #tpu.memory_space<hbm>>) target(%arg5 : memref<25600xi32, #tpu.memory_space<vmem>>) target_semaphore(%run_scoped3A : memref<!tpu.dma_semaphore, #tpu.memory_space<semaphore_mem>>)
      %dma_wait3A = tpu.memref_slice %arg3[%mul3A_2] : memref<819200xi32, #tpu.memory_space<hbm>> -> memref<25600xi32, #tpu.memory_space<hbm>>
      %dma_wait3A_120 = tpu.memref_slice %arg3[%mul3A_2] : memref<819200xi32, #tpu.memory_space<hbm>> -> memref<25600xi32, #tpu.memory_space<hbm>>
      tpu.wait_dma2 semaphore(%run_scoped3A : memref<!tpu.dma_semaphore, #tpu.memory_space<semaphore_mem>>) src(%dma_wait3A_120 : memref<25600xi32, #tpu.memory_space<hbm>>) dst(%arg5 : memref<25600xi32, #tpu.memory_space<vmem>>)
      tpu.yield
    }) : () -> ()
    %mul3A_3 = arith.constant 0 : i32
    %mul3A_4 = arith.constant 4 : i32
    %mul3A_5 = arith.muli %mul3A_3, %mul3A_4 : i32
    %add3A_6 = arith.constant 0 : i32
    %add3A_7 = arith.addi %mul3A_5, %add3A_6 : i32
    %mul3A_8 = arith.constant 128 : i32
    %mul3A_9 = arith.muli %add3A_7, %mul3A_8 : i32
    %mul3A_10 = arith.constant 0 : i32
    %mul3A_11 = arith.constant 4 : i32
    %mul3A_12 = arith.muli %mul3A_10, %mul3A_11 : i32
    %add3A_13 = arith.constant 1 : i32
    %add3A_14 = arith.addi %mul3A_12, %add3A_13 : i32
    %mul3A_15 = arith.constant 128 : i32
    %mul3A_16 = arith.muli %add3A_14, %mul3A_15 : i32
    %mul3A_17 = arith.constant 0 : i32
    %mul3A_18 = arith.constant 4 : i32
    %mul3A_19 = arith.muli %mul3A_17, %mul3A_18 : i32
    %add3A_20 = arith.constant 2 : i32
    %add3A_21 = arith.addi %mul3A_19, %add3A_20 : i32
    %mul3A_22 = arith.constant 128 : i32
    %mul3A_23 = arith.muli %add3A_21, %mul3A_22 : i32
    %mul3A_24 = arith.constant 0 : i32
    %mul3A_25 = arith.constant 4 : i32
    %mul3A_26 = arith.muli %mul3A_24, %mul3A_25 : i32
    %add3A_27 = arith.constant 3 : i32
    %add3A_28 = arith.addi %mul3A_26, %add3A_27 : i32
    %mul3A_29 = arith.constant 128 : i32
    %mul3A_30 = arith.muli %add3A_28, %mul3A_29 : i32
    %dma_start3A = arith.constant 0 : i32
    %dma_start3A_31 = arith.constant 0 : i32
    %dma_start3A_32 = tpu.memref_slice %arg6[%dma_start3A, %dma_start3A_31] : memref<512x64xf32, #tpu.memory_space<vmem>> -> memref<128x64xf32, #tpu.memory_space<vmem>>
    %dma_start3A_33 = tpu.memref_slice %arg5[%mul3A_9] : memref<25600xi32, #tpu.memory_space<vmem>> -> memref<128xi32, #tpu.memory_space<vmem>>
    %dma_start3A_34 = arith.constant 0 : i32
    %dma_start3A_35 = arith.constant 0 : i32
    %dma_start3A_36 = tpu.memref_slice %arg2[%dma_start3A_34, %dma_start3A_35] : memref<400000x64xf32, #tpu.memory_space<hbm>> -> memref<400000x64xf32, #tpu.memory_space<hbm>>
    tpu.enqueue_indirect_dma source(%dma_start3A_36 : memref<400000x64xf32, #tpu.memory_space<hbm>>) target(%dma_start3A_32 : memref<128x64xf32, #tpu.memory_space<vmem>>) offsets(%dma_start3A_33 : memref<128xi32, #tpu.memory_space<vmem>>) semaphore(%arg8 : memref<!tpu.dma_semaphore, #tpu.memory_space<semaphore_mem>>)
    %dma_start3A_37 = arith.constant 128 : i32
    %dma_start3A_38 = arith.constant 0 : i32
    %dma_start3A_39 = tpu.memref_slice %arg6[%dma_start3A_37, %dma_start3A_38] : memref<512x64xf32, #tpu.memory_space<vmem>> -> memref<128x64xf32, #tpu.memory_space<vmem>>
    %dma_start3A_40 = tpu.memref_slice %arg5[%mul3A_16] : memref<25600xi32, #tpu.memory_space<vmem>> -> memref<128xi32, #tpu.memory_space<vmem>>
    %dma_start3A_41 = arith.constant 0 : i32
    %dma_start3A_42 = arith.constant 0 : i32
    %dma_start3A_43 = tpu.memref_slice %arg2[%dma_start3A_41, %dma_start3A_42] : memref<400000x64xf32, #tpu.memory_space<hbm>> -> memref<400000x64xf32, #tpu.memory_space<hbm>>
    tpu.enqueue_indirect_dma source(%dma_start3A_43 : memref<400000x64xf32, #tpu.memory_space<hbm>>) target(%dma_start3A_39 : memref<128x64xf32, #tpu.memory_space<vmem>>) offsets(%dma_start3A_40 : memref<128xi32, #tpu.memory_space<vmem>>) semaphore(%arg8 : memref<!tpu.dma_semaphore, #tpu.memory_space<semaphore_mem>>)
    %dma_start3A_44 = arith.constant 256 : i32
    %dma_start3A_45 = arith.constant 0 : i32
    %dma_start3A_46 = tpu.memref_slice %arg6[%dma_start3A_44, %dma_start3A_45] : memref<512x64xf32, #tpu.memory_space<vmem>> -> memref<128x64xf32, #tpu.memory_space<vmem>>
    %dma_start3A_47 = tpu.memref_slice %arg5[%mul3A_23] : memref<25600xi32, #tpu.memory_space<vmem>> -> memref<128xi32, #tpu.memory_space<vmem>>
    %dma_start3A_48 = arith.constant 0 : i32
    %dma_start3A_49 = arith.constant 0 : i32
    %dma_start3A_50 = tpu.memref_slice %arg2[%dma_start3A_48, %dma_start3A_49] : memref<400000x64xf32, #tpu.memory_space<hbm>> -> memref<400000x64xf32, #tpu.memory_space<hbm>>
    tpu.enqueue_indirect_dma source(%dma_start3A_50 : memref<400000x64xf32, #tpu.memory_space<hbm>>) target(%dma_start3A_46 : memref<128x64xf32, #tpu.memory_space<vmem>>) offsets(%dma_start3A_47 : memref<128xi32, #tpu.memory_space<vmem>>) semaphore(%arg8 : memref<!tpu.dma_semaphore, #tpu.memory_space<semaphore_mem>>)
    %dma_start3A_51 = arith.constant 384 : i32
    %dma_start3A_52 = arith.constant 0 : i32
    %dma_start3A_53 = tpu.memref_slice %arg6[%dma_start3A_51, %dma_start3A_52] : memref<512x64xf32, #tpu.memory_space<vmem>> -> memref<128x64xf32, #tpu.memory_space<vmem>>
    %dma_start3A_54 = tpu.memref_slice %arg5[%mul3A_30] : memref<25600xi32, #tpu.memory_space<vmem>> -> memref<128xi32, #tpu.memory_space<vmem>>
    %dma_start3A_55 = arith.constant 0 : i32
    %dma_start3A_56 = arith.constant 0 : i32
    %dma_start3A_57 = tpu.memref_slice %arg2[%dma_start3A_55, %dma_start3A_56] : memref<400000x64xf32, #tpu.memory_space<hbm>> -> memref<400000x64xf32, #tpu.memory_space<hbm>>
    tpu.enqueue_indirect_dma source(%dma_start3A_57 : memref<400000x64xf32, #tpu.memory_space<hbm>>) target(%dma_start3A_53 : memref<128x64xf32, #tpu.memory_space<vmem>>) offsets(%dma_start3A_54 : memref<128xi32, #tpu.memory_space<vmem>>) semaphore(%arg8 : memref<!tpu.dma_semaphore, #tpu.memory_space<semaphore_mem>>)
    %mul3A_58 = arith.constant 1 : i32
    %mul3A_59 = arith.constant 4 : i32
    %mul3A_60 = arith.muli %mul3A_58, %mul3A_59 : i32
    %add3A_61 = arith.constant 0 : i32
    %add3A_62 = arith.addi %mul3A_60, %add3A_61 : i32
    %mul3A_63 = arith.constant 128 : i32
    %mul3A_64 = arith.muli %add3A_62, %mul3A_63 : i32
    %mul3A_65 = arith.constant 1 : i32
    %mul3A_66 = arith.constant 4 : i32
    %mul3A_67 = arith.muli %mul3A_65, %mul3A_66 : i32
    %add3A_68 = arith.constant 1 : i32
    %add3A_69 = arith.addi %mul3A_67, %add3A_68 : i32
    %mul3A_70 = arith.constant 128 : i32
    %mul3A_71 = arith.muli %add3A_69, %mul3A_70 : i32
    %mul3A_72 = arith.constant 1 : i32
    %mul3A_73 = arith.constant 4 : i32
    %mul3A_74 = arith.muli %mul3A_72, %mul3A_73 : i32
    %add3A_75 = arith.constant 2 : i32
    %add3A_76 = arith.addi %mul3A_74, %add3A_75 : i32
    %mul3A_77 = arith.constant 128 : i32
    %mul3A_78 = arith.muli %add3A_76, %mul3A_77 : i32
    %mul3A_79 = arith.constant 1 : i32
    %mul3A_80 = arith.constant 4 : i32
    %mul3A_81 = arith.muli %mul3A_79, %mul3A_80 : i32
    %add3A_82 = arith.constant 3 : i32
    %add3A_83 = arith.addi %mul3A_81, %add3A_82 : i32
    %mul3A_84 = arith.constant 128 : i32
    %mul3A_85 = arith.muli %add3A_83, %mul3A_84 : i32
    %dma_start3A_86 = arith.constant 0 : i32
    %dma_start3A_87 = arith.constant 0 : i32
    %dma_start3A_88 = tpu.memref_slice %arg7[%dma_start3A_86, %dma_start3A_87] : memref<512x64xf32, #tpu.memory_space<vmem>> -> memref<128x64xf32, #tpu.memory_space<vmem>>
    %dma_start3A_89 = tpu.memref_slice %arg5[%mul3A_64] : memref<25600xi32, #tpu.memory_space<vmem>> -> memref<128xi32, #tpu.memory_space<vmem>>
    %dma_start3A_90 = arith.constant 0 : i32
    %dma_start3A_91 = arith.constant 0 : i32
    %dma_start3A_92 = tpu.memref_slice %arg2[%dma_start3A_90, %dma_start3A_91] : memref<400000x64xf32, #tpu.memory_space<hbm>> -> memref<400000x64xf32, #tpu.memory_space<hbm>>
    tpu.enqueue_indirect_dma source(%dma_start3A_92 : memref<400000x64xf32, #tpu.memory_space<hbm>>) target(%dma_start3A_88 : memref<128x64xf32, #tpu.memory_space<vmem>>) offsets(%dma_start3A_89 : memref<128xi32, #tpu.memory_space<vmem>>) semaphore(%arg9 : memref<!tpu.dma_semaphore, #tpu.memory_space<semaphore_mem>>)
    %dma_start3A_93 = arith.constant 128 : i32
    %dma_start3A_94 = arith.constant 0 : i32
    %dma_start3A_95 = tpu.memref_slice %arg7[%dma_start3A_93, %dma_start3A_94] : memref<512x64xf32, #tpu.memory_space<vmem>> -> memref<128x64xf32, #tpu.memory_space<vmem>>
    %dma_start3A_96 = tpu.memref_slice %arg5[%mul3A_71] : memref<25600xi32, #tpu.memory_space<vmem>> -> memref<128xi32, #tpu.memory_space<vmem>>
    %dma_start3A_97 = arith.constant 0 : i32
    %dma_start3A_98 = arith.constant 0 : i32
    %dma_start3A_99 = tpu.memref_slice %arg2[%dma_start3A_97, %dma_start3A_98] : memref<400000x64xf32, #tpu.memory_space<hbm>> -> memref<400000x64xf32, #tpu.memory_space<hbm>>
    tpu.enqueue_indirect_dma source(%dma_start3A_99 : memref<400000x64xf32, #tpu.memory_space<hbm>>) target(%dma_start3A_95 : memref<128x64xf32, #tpu.memory_space<vmem>>) offsets(%dma_start3A_96 : memref<128xi32, #tpu.memory_space<vmem>>) semaphore(%arg9 : memref<!tpu.dma_semaphore, #tpu.memory_space<semaphore_mem>>)
    %dma_start3A_100 = arith.constant 256 : i32
    %dma_start3A_101 = arith.constant 0 : i32
    %dma_start3A_102 = tpu.memref_slice %arg7[%dma_start3A_100, %dma_start3A_101] : memref<512x64xf32, #tpu.memory_space<vmem>> -> memref<128x64xf32, #tpu.memory_space<vmem>>
    %dma_start3A_103 = tpu.memref_slice %arg5[%mul3A_78] : memref<25600xi32, #tpu.memory_space<vmem>> -> memref<128xi32, #tpu.memory_space<vmem>>
    %dma_start3A_104 = arith.constant 0 : i32
    %dma_start3A_105 = arith.constant 0 : i32
    %dma_start3A_106 = tpu.memref_slice %arg2[%dma_start3A_104, %dma_start3A_105] : memref<400000x64xf32, #tpu.memory_space<hbm>> -> memref<400000x64xf32, #tpu.memory_space<hbm>>
    tpu.enqueue_indirect_dma source(%dma_start3A_106 : memref<400000x64xf32, #tpu.memory_space<hbm>>) target(%dma_start3A_102 : memref<128x64xf32, #tpu.memory_space<vmem>>) offsets(%dma_start3A_103 : memref<128xi32, #tpu.memory_space<vmem>>) semaphore(%arg9 : memref<!tpu.dma_semaphore, #tpu.memory_space<semaphore_mem>>)
    %dma_start3A_107 = arith.constant 384 : i32
    %dma_start3A_108 = arith.constant 0 : i32
    %dma_start3A_109 = tpu.memref_slice %arg7[%dma_start3A_107, %dma_start3A_108] : memref<512x64xf32, #tpu.memory_space<vmem>> -> memref<128x64xf32, #tpu.memory_space<vmem>>
    %dma_start3A_110 = tpu.memref_slice %arg5[%mul3A_85] : memref<25600xi32, #tpu.memory_space<vmem>> -> memref<128xi32, #tpu.memory_space<vmem>>
    %dma_start3A_111 = arith.constant 0 : i32
    %dma_start3A_112 = arith.constant 0 : i32
    %dma_start3A_113 = tpu.memref_slice %arg2[%dma_start3A_111, %dma_start3A_112] : memref<400000x64xf32, #tpu.memory_space<hbm>> -> memref<400000x64xf32, #tpu.memory_space<hbm>>
    tpu.enqueue_indirect_dma source(%dma_start3A_113 : memref<400000x64xf32, #tpu.memory_space<hbm>>) target(%dma_start3A_109 : memref<128x64xf32, #tpu.memory_space<vmem>>) offsets(%dma_start3A_110 : memref<128xi32, #tpu.memory_space<vmem>>) semaphore(%arg9 : memref<!tpu.dma_semaphore, #tpu.memory_space<semaphore_mem>>)
    %scan3A = arith.constant 0 : i32
    %scan3A_114 = arith.constant 25 : i32
    %scan3A_115 = arith.addi %scan3A, %scan3A_114 : i32
    %scan3A_116 = arith.constant 1 : i32
    scf.for %scan3A_118 = %scan3A to %scan3A_115 step %scan3A_116  : i32 {
      %mul3A_119 = arith.constant 2 : i32
      %mul3A_120 = arith.muli %scan3A_118, %mul3A_119 : i32
      %add3A_121 = arith.constant 0 : i32
      %add3A_122 = arith.addi %add3A_121, %mul3A_120 : i32
      %mul3A_123 = arith.constant 4 : i32
      %mul3A_124 = arith.muli %add3A_122, %mul3A_123 : i32
      %add3A_125 = arith.constant 0 : i32
      %add3A_126 = arith.addi %mul3A_124, %add3A_125 : i32
      %mul3A_127 = arith.constant 128 : i32
      %mul3A_128 = arith.muli %add3A_126, %mul3A_127 : i32
      %mul3A_129 = arith.constant 4 : i32
      %mul3A_130 = arith.muli %add3A_122, %mul3A_129 : i32
      %add3A_131 = arith.constant 1 : i32
      %add3A_132 = arith.addi %mul3A_130, %add3A_131 : i32
      %mul3A_133 = arith.constant 128 : i32
      %mul3A_134 = arith.muli %add3A_132, %mul3A_133 : i32
      %mul3A_135 = arith.constant 4 : i32
      %mul3A_136 = arith.muli %add3A_122, %mul3A_135 : i32
      %add3A_137 = arith.constant 2 : i32
      %add3A_138 = arith.addi %mul3A_136, %add3A_137 : i32
      %mul3A_139 = arith.constant 128 : i32
      %mul3A_140 = arith.muli %add3A_138, %mul3A_139 : i32
      %mul3A_141 = arith.constant 4 : i32
      %mul3A_142 = arith.muli %add3A_122, %mul3A_141 : i32
      %add3A_143 = arith.constant 3 : i32
      %add3A_144 = arith.addi %mul3A_142, %add3A_143 : i32
      %mul3A_145 = arith.constant 128 : i32
      %mul3A_146 = arith.muli %add3A_144, %mul3A_145 : i32
      %dma_wait3A = arith.constant 0 : i32
      %dma_wait3A_147 = arith.constant 0 : i32
      %dma_wait3A_148 = tpu.memref_slice %arg6[%dma_wait3A, %dma_wait3A_147] : memref<512x64xf32, #tpu.memory_space<vmem>> -> memref<128x64xf32, #tpu.memory_space<vmem>>
      %dma_wait3A_149 = tpu.memref_slice %arg5[%mul3A_128] : memref<25600xi32, #tpu.memory_space<vmem>> -> memref<128xi32, #tpu.memory_space<vmem>>
      %dma_wait3A_150 = arith.constant 0 : i32
      %dma_wait3A_151 = arith.constant 0 : i32
      %dma_wait3A_152 = tpu.memref_slice %arg2[%dma_wait3A_150, %dma_wait3A_151] : memref<400000x64xf32, #tpu.memory_space<hbm>> -> memref<400000x64xf32, #tpu.memory_space<hbm>>
      tpu.wait_indirect_dma semaphore(%arg8 : memref<!tpu.dma_semaphore, #tpu.memory_space<semaphore_mem>>) src(%dma_wait3A_152 : memref<400000x64xf32, #tpu.memory_space<hbm>>) dst(%dma_wait3A_148 : memref<128x64xf32, #tpu.memory_space<vmem>>)
      %dma_wait3A_153 = arith.constant 128 : i32
      %dma_wait3A_154 = arith.constant 0 : i32
      %dma_wait3A_155 = tpu.memref_slice %arg6[%dma_wait3A_153, %dma_wait3A_154] : memref<512x64xf32, #tpu.memory_space<vmem>> -> memref<128x64xf32, #tpu.memory_space<vmem>>
      %dma_wait3A_156 = tpu.memref_slice %arg5[%mul3A_134] : memref<25600xi32, #tpu.memory_space<vmem>> -> memref<128xi32, #tpu.memory_space<vmem>>
      %dma_wait3A_157 = arith.constant 0 : i32
      %dma_wait3A_158 = arith.constant 0 : i32
      %dma_wait3A_159 = tpu.memref_slice %arg2[%dma_wait3A_157, %dma_wait3A_158] : memref<400000x64xf32, #tpu.memory_space<hbm>> -> memref<400000x64xf32, #tpu.memory_space<hbm>>
      tpu.wait_indirect_dma semaphore(%arg8 : memref<!tpu.dma_semaphore, #tpu.memory_space<semaphore_mem>>) src(%dma_wait3A_159 : memref<400000x64xf32, #tpu.memory_space<hbm>>) dst(%dma_wait3A_155 : memref<128x64xf32, #tpu.memory_space<vmem>>)
      %dma_wait3A_160 = arith.constant 256 : i32
      %dma_wait3A_161 = arith.constant 0 : i32
      %dma_wait3A_162 = tpu.memref_slice %arg6[%dma_wait3A_160, %dma_wait3A_161] : memref<512x64xf32, #tpu.memory_space<vmem>> -> memref<128x64xf32, #tpu.memory_space<vmem>>
      %dma_wait3A_163 = tpu.memref_slice %arg5[%mul3A_140] : memref<25600xi32, #tpu.memory_space<vmem>> -> memref<128xi32, #tpu.memory_space<vmem>>
      %dma_wait3A_164 = arith.constant 0 : i32
      %dma_wait3A_165 = arith.constant 0 : i32
      %dma_wait3A_166 = tpu.memref_slice %arg2[%dma_wait3A_164, %dma_wait3A_165] : memref<400000x64xf32, #tpu.memory_space<hbm>> -> memref<400000x64xf32, #tpu.memory_space<hbm>>
      tpu.wait_indirect_dma semaphore(%arg8 : memref<!tpu.dma_semaphore, #tpu.memory_space<semaphore_mem>>) src(%dma_wait3A_166 : memref<400000x64xf32, #tpu.memory_space<hbm>>) dst(%dma_wait3A_162 : memref<128x64xf32, #tpu.memory_space<vmem>>)
      %dma_wait3A_167 = arith.constant 384 : i32
      %dma_wait3A_168 = arith.constant 0 : i32
      %dma_wait3A_169 = tpu.memref_slice %arg6[%dma_wait3A_167, %dma_wait3A_168] : memref<512x64xf32, #tpu.memory_space<vmem>> -> memref<128x64xf32, #tpu.memory_space<vmem>>
      %dma_wait3A_170 = tpu.memref_slice %arg5[%mul3A_146] : memref<25600xi32, #tpu.memory_space<vmem>> -> memref<128xi32, #tpu.memory_space<vmem>>
      %dma_wait3A_171 = arith.constant 0 : i32
      %dma_wait3A_172 = arith.constant 0 : i32
      %dma_wait3A_173 = tpu.memref_slice %arg2[%dma_wait3A_171, %dma_wait3A_172] : memref<400000x64xf32, #tpu.memory_space<hbm>> -> memref<400000x64xf32, #tpu.memory_space<hbm>>
      tpu.wait_indirect_dma semaphore(%arg8 : memref<!tpu.dma_semaphore, #tpu.memory_space<semaphore_mem>>) src(%dma_wait3A_173 : memref<400000x64xf32, #tpu.memory_space<hbm>>) dst(%dma_wait3A_169 : memref<128x64xf32, #tpu.memory_space<vmem>>)
      %mul3A_174 = arith.constant 512 : i32
      %mul3A_175 = arith.muli %add3A_122, %mul3A_174 : i32
      %add3A_176 = arith.addi %mul3A_2, %mul3A_175 : i32
      %dma_start3A_177 = arith.constant 0 : i32
      %dma_start3A_178 = tpu.memref_slice %arg4[%add3A_176, %dma_start3A_177] : memref<819200x128xf32, #tpu.memory_space<hbm>> -> memref<512x64xf32, #tpu.memory_space<hbm>>
      %dma_start3A_179 = arith.constant 0 : i32
      %dma_start3A_180 = tpu.memref_slice %arg4[%add3A_176, %dma_start3A_179] : memref<819200x128xf32, #tpu.memory_space<hbm>> -> memref<512x64xf32, #tpu.memory_space<hbm>>
      tpu.enqueue_dma source(%arg6 : memref<512x64xf32, #tpu.memory_space<vmem>>) target(%dma_start3A_180 : memref<512x64xf32, #tpu.memory_space<hbm>>) target_semaphore(%arg10 : memref<!tpu.dma_semaphore, #tpu.memory_space<semaphore_mem>>)
      %dma_wait3A_181 = arith.constant 0 : i32
      %dma_wait3A_182 = tpu.memref_slice %arg4[%add3A_176, %dma_wait3A_181] : memref<819200x128xf32, #tpu.memory_space<hbm>> -> memref<512x64xf32, #tpu.memory_space<hbm>>
      %dma_wait3A_183 = arith.constant 0 : i32
      %dma_wait3A_184 = tpu.memref_slice %arg4[%add3A_176, %dma_wait3A_183] : memref<819200x128xf32, #tpu.memory_space<hbm>> -> memref<512x64xf32, #tpu.memory_space<hbm>>
      tpu.wait_dma2 semaphore(%arg10 : memref<!tpu.dma_semaphore, #tpu.memory_space<semaphore_mem>>) src(%arg6 : memref<512x64xf32, #tpu.memory_space<vmem>>) dst(%dma_wait3A_184 : memref<512x64xf32, #tpu.memory_space<hbm>>)
      %add3A_185 = arith.constant 2 : i32
      %add3A_186 = arith.addi %add3A_122, %add3A_185 : i32
      %lt3A = arith.constant 50 : i32
      %lt3A_187 = arith.cmpi slt, %add3A_186, %lt3A : i32
      %convert_element_type3A = arith.extui %lt3A_187 : i1 to i32
      %cond3A = arith.constant 0 : i32
      %cond3A_188 = arith.cmpi ne, %convert_element_type3A, %cond3A : i32
      scf.if %cond3A_188 {
        %add3A_263 = arith.constant 2 : i32
        %add3A_264 = arith.addi %add3A_122, %add3A_263 : i32
        %mul3A_265 = arith.constant 4 : i32
        %mul3A_266 = arith.muli %add3A_264, %mul3A_265 : i32
        %add3A_267 = arith.constant 0 : i32
        %add3A_268 = arith.addi %mul3A_266, %add3A_267 : i32
        %mul3A_269 = arith.constant 128 : i32
        %mul3A_270 = arith.muli %add3A_268, %mul3A_269 : i32
        %mul3A_271 = arith.constant 4 : i32
        %mul3A_272 = arith.muli %add3A_264, %mul3A_271 : i32
        %add3A_273 = arith.constant 1 : i32
        %add3A_274 = arith.addi %mul3A_272, %add3A_273 : i32
        %mul3A_275 = arith.constant 128 : i32
        %mul3A_276 = arith.muli %add3A_274, %mul3A_275 : i32
        %mul3A_277 = arith.constant 4 : i32
        %mul3A_278 = arith.muli %add3A_264, %mul3A_277 : i32
        %add3A_279 = arith.constant 2 : i32
        %add3A_280 = arith.addi %mul3A_278, %add3A_279 : i32
        %mul3A_281 = arith.constant 128 : i32
        %mul3A_282 = arith.muli %add3A_280, %mul3A_281 : i32
        %mul3A_283 = arith.constant 4 : i32
        %mul3A_284 = arith.muli %add3A_264, %mul3A_283 : i32
        %add3A_285 = arith.constant 3 : i32
        %add3A_286 = arith.addi %mul3A_284, %add3A_285 : i32
        %mul3A_287 = arith.constant 128 : i32
        %mul3A_288 = arith.muli %add3A_286, %mul3A_287 : i32
        %dma_start3A_289 = arith.constant 0 : i32
        %dma_start3A_290 = arith.constant 0 : i32
        %dma_start3A_291 = tpu.memref_slice %arg6[%dma_start3A_289, %dma_start3A_290] : memref<512x64xf32, #tpu.memory_space<vmem>> -> memref<128x64xf32, #tpu.memory_space<vmem>>
        %dma_start3A_292 = tpu.memref_slice %arg5[%mul3A_270] : memref<25600xi32, #tpu.memory_space<vmem>> -> memref<128xi32, #tpu.memory_space<vmem>>
        %dma_start3A_293 = arith.constant 0 : i32
        %dma_start3A_294 = arith.constant 0 : i32
        %dma_start3A_295 = tpu.memref_slice %arg2[%dma_start3A_293, %dma_start3A_294] : memref<400000x64xf32, #tpu.memory_space<hbm>> -> memref<400000x64xf32, #tpu.memory_space<hbm>>
        tpu.enqueue_indirect_dma source(%dma_start3A_295 : memref<400000x64xf32, #tpu.memory_space<hbm>>) target(%dma_start3A_291 : memref<128x64xf32, #tpu.memory_space<vmem>>) offsets(%dma_start3A_292 : memref<128xi32, #tpu.memory_space<vmem>>) semaphore(%arg8 : memref<!tpu.dma_semaphore, #tpu.memory_space<semaphore_mem>>)
        %dma_start3A_296 = arith.constant 128 : i32
        %dma_start3A_297 = arith.constant 0 : i32
        %dma_start3A_298 = tpu.memref_slice %arg6[%dma_start3A_296, %dma_start3A_297] : memref<512x64xf32, #tpu.memory_space<vmem>> -> memref<128x64xf32, #tpu.memory_space<vmem>>
        %dma_start3A_299 = tpu.memref_slice %arg5[%mul3A_276] : memref<25600xi32, #tpu.memory_space<vmem>> -> memref<128xi32, #tpu.memory_space<vmem>>
        %dma_start3A_300 = arith.constant 0 : i32
        %dma_start3A_301 = arith.constant 0 : i32
        %dma_start3A_302 = tpu.memref_slice %arg2[%dma_start3A_300, %dma_start3A_301] : memref<400000x64xf32, #tpu.memory_space<hbm>> -> memref<400000x64xf32, #tpu.memory_space<hbm>>
        tpu.enqueue_indirect_dma source(%dma_start3A_302 : memref<400000x64xf32, #tpu.memory_space<hbm>>) target(%dma_start3A_298 : memref<128x64xf32, #tpu.memory_space<vmem>>) offsets(%dma_start3A_299 : memref<128xi32, #tpu.memory_space<vmem>>) semaphore(%arg8 : memref<!tpu.dma_semaphore, #tpu.memory_space<semaphore_mem>>)
        %dma_start3A_303 = arith.constant 256 : i32
        %dma_start3A_304 = arith.constant 0 : i32
        %dma_start3A_305 = tpu.memref_slice %arg6[%dma_start3A_303, %dma_start3A_304] : memref<512x64xf32, #tpu.memory_space<vmem>> -> memref<128x64xf32, #tpu.memory_space<vmem>>
        %dma_start3A_306 = tpu.memref_slice %arg5[%mul3A_282] : memref<25600xi32, #tpu.memory_space<vmem>> -> memref<128xi32, #tpu.memory_space<vmem>>
        %dma_start3A_307 = arith.constant 0 : i32
        %dma_start3A_308 = arith.constant 0 : i32
        %dma_start3A_309 = tpu.memref_slice %arg2[%dma_start3A_307, %dma_start3A_308] : memref<400000x64xf32, #tpu.memory_space<hbm>> -> memref<400000x64xf32, #tpu.memory_space<hbm>>
        tpu.enqueue_indirect_dma source(%dma_start3A_309 : memref<400000x64xf32, #tpu.memory_space<hbm>>) target(%dma_start3A_305 : memref<128x64xf32, #tpu.memory_space<vmem>>) offsets(%dma_start3A_306 : memref<128xi32, #tpu.memory_space<vmem>>) semaphore(%arg8 : memref<!tpu.dma_semaphore, #tpu.memory_space<semaphore_mem>>)
        %dma_start3A_310 = arith.constant 384 : i32
        %dma_start3A_311 = arith.constant 0 : i32
        %dma_start3A_312 = tpu.memref_slice %arg6[%dma_start3A_310, %dma_start3A_311] : memref<512x64xf32, #tpu.memory_space<vmem>> -> memref<128x64xf32, #tpu.memory_space<vmem>>
        %dma_start3A_313 = tpu.memref_slice %arg5[%mul3A_288] : memref<25600xi32, #tpu.memory_space<vmem>> -> memref<128xi32, #tpu.memory_space<vmem>>
        %dma_start3A_314 = arith.constant 0 : i32
        %dma_start3A_315 = arith.constant 0 : i32
        %dma_start3A_316 = tpu.memref_slice %arg2[%dma_start3A_314, %dma_start3A_315] : memref<400000x64xf32, #tpu.memory_space<hbm>> -> memref<400000x64xf32, #tpu.memory_space<hbm>>
        tpu.enqueue_indirect_dma source(%dma_start3A_316 : memref<400000x64xf32, #tpu.memory_space<hbm>>) target(%dma_start3A_312 : memref<128x64xf32, #tpu.memory_space<vmem>>) offsets(%dma_start3A_313 : memref<128xi32, #tpu.memory_space<vmem>>) semaphore(%arg8 : memref<!tpu.dma_semaphore, #tpu.memory_space<semaphore_mem>>)
      } else {
      }
      %add3A_189 = arith.constant 1 : i32
      %add3A_190 = arith.addi %add3A_122, %add3A_189 : i32
      %mul3A_191 = arith.constant 4 : i32
      %mul3A_192 = arith.muli %add3A_190, %mul3A_191 : i32
      %add3A_193 = arith.constant 0 : i32
      %add3A_194 = arith.addi %mul3A_192, %add3A_193 : i32
      %mul3A_195 = arith.constant 128 : i32
      %mul3A_196 = arith.muli %add3A_194, %mul3A_195 : i32
      %mul3A_197 = arith.constant 4 : i32
      %mul3A_198 = arith.muli %add3A_190, %mul3A_197 : i32
      %add3A_199 = arith.constant 1 : i32
      %add3A_200 = arith.addi %mul3A_198, %add3A_199 : i32
      %mul3A_201 = arith.constant 128 : i32
      %mul3A_202 = arith.muli %add3A_200, %mul3A_201 : i32
      %mul3A_203 = arith.constant 4 : i32
      %mul3A_204 = arith.muli %add3A_190, %mul3A_203 : i32
      %add3A_205 = arith.constant 2 : i32
      %add3A_206 = arith.addi %mul3A_204, %add3A_205 : i32
      %mul3A_207 = arith.constant 128 : i32
      %mul3A_208 = arith.muli %add3A_206, %mul3A_207 : i32
      %mul3A_209 = arith.constant 4 : i32
      %mul3A_210 = arith.muli %add3A_190, %mul3A_209 : i32
      %add3A_211 = arith.constant 3 : i32
      %add3A_212 = arith.addi %mul3A_210, %add3A_211 : i32
      %mul3A_213 = arith.constant 128 : i32
      %mul3A_214 = arith.muli %add3A_212, %mul3A_213 : i32
      %dma_wait3A_215 = arith.constant 0 : i32
      %dma_wait3A_216 = arith.constant 0 : i32
      %dma_wait3A_217 = tpu.memref_slice %arg7[%dma_wait3A_215, %dma_wait3A_216] : memref<512x64xf32, #tpu.memory_space<vmem>> -> memref<128x64xf32, #tpu.memory_space<vmem>>
      %dma_wait3A_218 = tpu.memref_slice %arg5[%mul3A_196] : memref<25600xi32, #tpu.memory_space<vmem>> -> memref<128xi32, #tpu.memory_space<vmem>>
      %dma_wait3A_219 = arith.constant 0 : i32
      %dma_wait3A_220 = arith.constant 0 : i32
      %dma_wait3A_221 = tpu.memref_slice %arg2[%dma_wait3A_219, %dma_wait3A_220] : memref<400000x64xf32, #tpu.memory_space<hbm>> -> memref<400000x64xf32, #tpu.memory_space<hbm>>
      tpu.wait_indirect_dma semaphore(%arg9 : memref<!tpu.dma_semaphore, #tpu.memory_space<semaphore_mem>>) src(%dma_wait3A_221 : memref<400000x64xf32, #tpu.memory_space<hbm>>) dst(%dma_wait3A_217 : memref<128x64xf32, #tpu.memory_space<vmem>>)
      %dma_wait3A_222 = arith.constant 128 : i32
      %dma_wait3A_223 = arith.constant 0 : i32
      %dma_wait3A_224 = tpu.memref_slice %arg7[%dma_wait3A_222, %dma_wait3A_223] : memref<512x64xf32, #tpu.memory_space<vmem>> -> memref<128x64xf32, #tpu.memory_space<vmem>>
      %dma_wait3A_225 = tpu.memref_slice %arg5[%mul3A_202] : memref<25600xi32, #tpu.memory_space<vmem>> -> memref<128xi32, #tpu.memory_space<vmem>>
      %dma_wait3A_226 = arith.constant 0 : i32
      %dma_wait3A_227 = arith.constant 0 : i32
      %dma_wait3A_228 = tpu.memref_slice %arg2[%dma_wait3A_226, %dma_wait3A_227] : memref<400000x64xf32, #tpu.memory_space<hbm>> -> memref<400000x64xf32, #tpu.memory_space<hbm>>
      tpu.wait_indirect_dma semaphore(%arg9 : memref<!tpu.dma_semaphore, #tpu.memory_space<semaphore_mem>>) src(%dma_wait3A_228 : memref<400000x64xf32, #tpu.memory_space<hbm>>) dst(%dma_wait3A_224 : memref<128x64xf32, #tpu.memory_space<vmem>>)
      %dma_wait3A_229 = arith.constant 256 : i32
      %dma_wait3A_230 = arith.constant 0 : i32
      %dma_wait3A_231 = tpu.memref_slice %arg7[%dma_wait3A_229, %dma_wait3A_230] : memref<512x64xf32, #tpu.memory_space<vmem>> -> memref<128x64xf32, #tpu.memory_space<vmem>>
      %dma_wait3A_232 = tpu.memref_slice %arg5[%mul3A_208] : memref<25600xi32, #tpu.memory_space<vmem>> -> memref<128xi32, #tpu.memory_space<vmem>>
      %dma_wait3A_233 = arith.constant 0 : i32
      %dma_wait3A_234 = arith.constant 0 : i32
      %dma_wait3A_235 = tpu.memref_slice %arg2[%dma_wait3A_233, %dma_wait3A_234] : memref<400000x64xf32, #tpu.memory_space<hbm>> -> memref<400000x64xf32, #tpu.memory_space<hbm>>
      tpu.wait_indirect_dma semaphore(%arg9 : memref<!tpu.dma_semaphore, #tpu.memory_space<semaphore_mem>>) src(%dma_wait3A_235 : memref<400000x64xf32, #tpu.memory_space<hbm>>) dst(%dma_wait3A_231 : memref<128x64xf32, #tpu.memory_space<vmem>>)
      %dma_wait3A_236 = arith.constant 384 : i32
      %dma_wait3A_237 = arith.constant 0 : i32
      %dma_wait3A_238 = tpu.memref_slice %arg7[%dma_wait3A_236, %dma_wait3A_237] : memref<512x64xf32, #tpu.memory_space<vmem>> -> memref<128x64xf32, #tpu.memory_space<vmem>>
      %dma_wait3A_239 = tpu.memref_slice %arg5[%mul3A_214] : memref<25600xi32, #tpu.memory_space<vmem>> -> memref<128xi32, #tpu.memory_space<vmem>>
      %dma_wait3A_240 = arith.constant 0 : i32
      %dma_wait3A_241 = arith.constant 0 : i32
      %dma_wait3A_242 = tpu.memref_slice %arg2[%dma_wait3A_240, %dma_wait3A_241] : memref<400000x64xf32, #tpu.memory_space<hbm>> -> memref<400000x64xf32, #tpu.memory_space<hbm>>
      tpu.wait_indirect_dma semaphore(%arg9 : memref<!tpu.dma_semaphore, #tpu.memory_space<semaphore_mem>>) src(%dma_wait3A_242 : memref<400000x64xf32, #tpu.memory_space<hbm>>) dst(%dma_wait3A_238 : memref<128x64xf32, #tpu.memory_space<vmem>>)
      %add3A_243 = arith.constant 1 : i32
      %add3A_244 = arith.addi %add3A_122, %add3A_243 : i32
      %mul3A_245 = arith.constant 512 : i32
      %mul3A_246 = arith.muli %add3A_244, %mul3A_245 : i32
      %add3A_247 = arith.addi %mul3A_2, %mul3A_246 : i32
      %dma_start3A_248 = arith.constant 0 : i32
      %dma_start3A_249 = tpu.memref_slice %arg4[%add3A_247, %dma_start3A_248] : memref<819200x128xf32, #tpu.memory_space<hbm>> -> memref<512x64xf32, #tpu.memory_space<hbm>>
      %dma_start3A_250 = arith.constant 0 : i32
      %dma_start3A_251 = tpu.memref_slice %arg4[%add3A_247, %dma_start3A_250] : memref<819200x128xf32, #tpu.memory_space<hbm>> -> memref<512x64xf32, #tpu.memory_space<hbm>>
      tpu.enqueue_dma source(%arg7 : memref<512x64xf32, #tpu.memory_space<vmem>>) target(%dma_start3A_251 : memref<512x64xf32, #tpu.memory_space<hbm>>) target_semaphore(%arg11 : memref<!tpu.dma_semaphore, #tpu.memory_space<semaphore_mem>>)
      %dma_wait3A_252 = arith.constant 0 : i32
      %dma_wait3A_253 = tpu.memref_slice %arg4[%add3A_247, %dma_wait3A_252] : memref<819200x128xf32, #tpu.memory_space<hbm>> -> memref<512x64xf32, #tpu.memory_space<hbm>>
      %dma_wait3A_254 = arith.constant 0 : i32
      %dma_wait3A_255 = tpu.memref_slice %arg4[%add3A_247, %dma_wait3A_254] : memref<819200x128xf32, #tpu.memory_space<hbm>> -> memref<512x64xf32, #tpu.memory_space<hbm>>
      tpu.wait_dma2 semaphore(%arg11 : memref<!tpu.dma_semaphore, #tpu.memory_space<semaphore_mem>>) src(%arg7 : memref<512x64xf32, #tpu.memory_space<vmem>>) dst(%dma_wait3A_255 : memref<512x64xf32, #tpu.memory_space<hbm>>)
      %add3A_256 = arith.constant 3 : i32
      %add3A_257 = arith.addi %add3A_122, %add3A_256 : i32
      %lt3A_258 = arith.constant 50 : i32
      %lt3A_259 = arith.cmpi slt, %add3A_257, %lt3A_258 : i32
      %convert_element_type3A_260 = arith.extui %lt3A_259 : i1 to i32
      %cond3A_261 = arith.constant 0 : i32
      %cond3A_262 = arith.cmpi ne, %convert_element_type3A_260, %cond3A_261 : i32
      scf.if %cond3A_262 {
        %add3A_263 = arith.constant 3 : i32
        %add3A_264 = arith.addi %add3A_122, %add3A_263 : i32
        %mul3A_265 = arith.constant 4 : i32
        %mul3A_266 = arith.muli %add3A_264, %mul3A_265 : i32
        %add3A_267 = arith.constant 0 : i32
        %add3A_268 = arith.addi %mul3A_266, %add3A_267 : i32
        %mul3A_269 = arith.constant 128 : i32
        %mul3A_270 = arith.muli %add3A_268, %mul3A_269 : i32
        %mul3A_271 = arith.constant 4 : i32
        %mul3A_272 = arith.muli %add3A_264, %mul3A_271 : i32
        %add3A_273 = arith.constant 1 : i32
        %add3A_274 = arith.addi %mul3A_272, %add3A_273 : i32
        %mul3A_275 = arith.constant 128 : i32
        %mul3A_276 = arith.muli %add3A_274, %mul3A_275 : i32
        %mul3A_277 = arith.constant 4 : i32
        %mul3A_278 = arith.muli %add3A_264, %mul3A_277 : i32
        %add3A_279 = arith.constant 2 : i32
        %add3A_280 = arith.addi %mul3A_278, %add3A_279 : i32
        %mul3A_281 = arith.constant 128 : i32
        %mul3A_282 = arith.muli %add3A_280, %mul3A_281 : i32
        %mul3A_283 = arith.constant 4 : i32
        %mul3A_284 = arith.muli %add3A_264, %mul3A_283 : i32
        %add3A_285 = arith.constant 3 : i32
        %add3A_286 = arith.addi %mul3A_284, %add3A_285 : i32
        %mul3A_287 = arith.constant 128 : i32
        %mul3A_288 = arith.muli %add3A_286, %mul3A_287 : i32
        %dma_start3A_289 = arith.constant 0 : i32
        %dma_start3A_290 = arith.constant 0 : i32
        %dma_start3A_291 = tpu.memref_slice %arg7[%dma_start3A_289, %dma_start3A_290] : memref<512x64xf32, #tpu.memory_space<vmem>> -> memref<128x64xf32, #tpu.memory_space<vmem>>
        %dma_start3A_292 = tpu.memref_slice %arg5[%mul3A_270] : memref<25600xi32, #tpu.memory_space<vmem>> -> memref<128xi32, #tpu.memory_space<vmem>>
        %dma_start3A_293 = arith.constant 0 : i32
        %dma_start3A_294 = arith.constant 0 : i32
        %dma_start3A_295 = tpu.memref_slice %arg2[%dma_start3A_293, %dma_start3A_294] : memref<400000x64xf32, #tpu.memory_space<hbm>> -> memref<400000x64xf32, #tpu.memory_space<hbm>>
        tpu.enqueue_indirect_dma source(%dma_start3A_295 : memref<400000x64xf32, #tpu.memory_space<hbm>>) target(%dma_start3A_291 : memref<128x64xf32, #tpu.memory_space<vmem>>) offsets(%dma_start3A_292 : memref<128xi32, #tpu.memory_space<vmem>>) semaphore(%arg9 : memref<!tpu.dma_semaphore, #tpu.memory_space<semaphore_mem>>)
        %dma_start3A_296 = arith.constant 128 : i32
        %dma_start3A_297 = arith.constant 0 : i32
        %dma_start3A_298 = tpu.memref_slice %arg7[%dma_start3A_296, %dma_start3A_297] : memref<512x64xf32, #tpu.memory_space<vmem>> -> memref<128x64xf32, #tpu.memory_space<vmem>>
        %dma_start3A_299 = tpu.memref_slice %arg5[%mul3A_276] : memref<25600xi32, #tpu.memory_space<vmem>> -> memref<128xi32, #tpu.memory_space<vmem>>
        %dma_start3A_300 = arith.constant 0 : i32
        %dma_start3A_301 = arith.constant 0 : i32
        %dma_start3A_302 = tpu.memref_slice %arg2[%dma_start3A_300, %dma_start3A_301] : memref<400000x64xf32, #tpu.memory_space<hbm>> -> memref<400000x64xf32, #tpu.memory_space<hbm>>
        tpu.enqueue_indirect_dma source(%dma_start3A_302 : memref<400000x64xf32, #tpu.memory_space<hbm>>) target(%dma_start3A_298 : memref<128x64xf32, #tpu.memory_space<vmem>>) offsets(%dma_start3A_299 : memref<128xi32, #tpu.memory_space<vmem>>) semaphore(%arg9 : memref<!tpu.dma_semaphore, #tpu.memory_space<semaphore_mem>>)
        %dma_start3A_303 = arith.constant 256 : i32
        %dma_start3A_304 = arith.constant 0 : i32
        %dma_start3A_305 = tpu.memref_slice %arg7[%dma_start3A_303, %dma_start3A_304] : memref<512x64xf32, #tpu.memory_space<vmem>> -> memref<128x64xf32, #tpu.memory_space<vmem>>
        %dma_start3A_306 = tpu.memref_slice %arg5[%mul3A_282] : memref<25600xi32, #tpu.memory_space<vmem>> -> memref<128xi32, #tpu.memory_space<vmem>>
        %dma_start3A_307 = arith.constant 0 : i32
        %dma_start3A_308 = arith.constant 0 : i32
        %dma_start3A_309 = tpu.memref_slice %arg2[%dma_start3A_307, %dma_start3A_308] : memref<400000x64xf32, #tpu.memory_space<hbm>> -> memref<400000x64xf32, #tpu.memory_space<hbm>>
        tpu.enqueue_indirect_dma source(%dma_start3A_309 : memref<400000x64xf32, #tpu.memory_space<hbm>>) target(%dma_start3A_305 : memref<128x64xf32, #tpu.memory_space<vmem>>) offsets(%dma_start3A_306 : memref<128xi32, #tpu.memory_space<vmem>>) semaphore(%arg9 : memref<!tpu.dma_semaphore, #tpu.memory_space<semaphore_mem>>)
        %dma_start3A_310 = arith.constant 384 : i32
        %dma_start3A_311 = arith.constant 0 : i32
        %dma_start3A_312 = tpu.memref_slice %arg7[%dma_start3A_310, %dma_start3A_311] : memref<512x64xf32, #tpu.memory_space<vmem>> -> memref<128x64xf32, #tpu.memory_space<vmem>>
        %dma_start3A_313 = tpu.memref_slice %arg5[%mul3A_288] : memref<25600xi32, #tpu.memory_space<vmem>> -> memref<128xi32, #tpu.memory_space<vmem>>
        %dma_start3A_314 = arith.constant 0 : i32
        %dma_start3A_315 = arith.constant 0 : i32
        %dma_start3A_316 = tpu.memref_slice %arg2[%dma_start3A_314, %dma_start3A_315] : memref<400000x64xf32, #tpu.memory_space<hbm>> -> memref<400000x64xf32, #tpu.memory_space<hbm>>
        tpu.enqueue_indirect_dma source(%dma_start3A_316 : memref<400000x64xf32, #tpu.memory_space<hbm>>) target(%dma_start3A_312 : memref<128x64xf32, #tpu.memory_space<vmem>>) offsets(%dma_start3A_313 : memref<128xi32, #tpu.memory_space<vmem>>) semaphore(%arg9 : memref<!tpu.dma_semaphore, #tpu.memory_space<semaphore_mem>>)
      } else {
      }
    }
    %scan3A_117 = arith.constant 25 : i32
    return
  }
}

module attributes {stable_mosaic.version = 14 : i64} {
  func.func @_hash_body(%arg0: memref<6400x128xi32, #tpu.memory_space<vmem>>, %arg1: memref<6400x128xi32, #tpu.memory_space<vmem>>) attributes {dimension_semantics = [], scalar_prefetch = 0 : i64, scratch_operands = 0 : i64, tpu.core_type = #tpu.core_type<tc>} {
    %get3A = arith.constant 0 : index
    %get3A_0 = arith.constant 0 : index
    %get3A_1 = vector.load %arg0[%get3A, %get3A_0] : memref<6400x128xi32, #tpu.memory_space<vmem>>, vector<6400x128xi32>
    %broadcast_in_dim3A = arith.constant 0 : i32
    %broadcast_in_dim3A_2 = vector.broadcast %broadcast_in_dim3A : i32 to vector<6400x1xi32>
    %slice3A = vector.extract_strided_slice %get3A_1 {offsets = [0, 0], sizes = [6400, 127], strides = [1, 1]} : vector<6400x128xi32> to vector<6400x127xi32>
    %concatenate3A = tpu.concatenate %broadcast_in_dim3A_2, %slice3A in 1 : vector<6400x1xi32>, vector<6400x127xi32> -> vector<6400x128xi32>
    %broadcast_in_dim3A_3 = arith.constant 0 : i32
    %broadcast_in_dim3A_4 = vector.broadcast %broadcast_in_dim3A_3 : i32 to vector<1x1xi32>
    %slice3A_5 = vector.extract_strided_slice %get3A_1 {offsets = [0, 127], sizes = [6399, 1], strides = [1, 1]} : vector<6400x128xi32> to vector<6399x1xi32>
    %concatenate3A_6 = tpu.concatenate %broadcast_in_dim3A_4, %slice3A_5 in 0 : vector<1x1xi32>, vector<6399x1xi32> -> vector<6400x1xi32>
    %iota3A = tpu.iota {dimensions = array<i32: 1>} : vector<6400x128xi32>
    %iota3A_7 = tpu.iota {dimensions = array<i32: 0>} : vector<6400x128xi32>
    %eq3A = arith.constant 0 : i32
    %eq3A_8 = vector.broadcast %eq3A : i32 to vector<6400x128xi32>
    %eq3A_9 = arith.cmpi eq, %iota3A, %eq3A_8 : vector<6400x128xi32>
    %broadcast_in_dim3A_10 = vector.shape_cast %concatenate3A_6 : vector<6400x1xi32> to vector<6400x1xi32>
    %broadcast_in_dim3A_11 = vector.broadcast %broadcast_in_dim3A_10 : vector<6400x1xi32> to vector<6400x128xi32>
    %select_n3A = arith.select %eq3A_9, %broadcast_in_dim3A_11, %concatenate3A : vector<6400x128xi1>, vector<6400x128xi32>
    %mul3A = arith.constant 128 : i32
    %mul3A_12 = vector.broadcast %mul3A : i32 to vector<6400x128xi32>
    %mul3A_13 = arith.muli %iota3A_7, %mul3A_12 : vector<6400x128xi32>
    %add3A = arith.addi %mul3A_13, %iota3A : vector<6400x128xi32>
    %jit3A = arith.constant 200 : i32
    %eq3A_14 = arith.constant 0 : i32
    %eq3A_15 = arith.cmpi eq, %jit3A, %eq3A_14 : i32
    %jit3A_16 = arith.constant 1 : i32
    %select_n3A_17 = arith.select %eq3A_15, %jit3A_16, %jit3A : i32
    %rem3A = vector.broadcast %select_n3A_17 : i32 to vector<6400x128xi32>
    %rem3A_18 = arith.remsi %add3A, %rem3A : vector<6400x128xi32>
    %ne3A = arith.constant 0 : i32
    %ne3A_19 = vector.broadcast %ne3A : i32 to vector<6400x128xi32>
    %ne3A_20 = arith.cmpi ne, %rem3A_18, %ne3A_19 : vector<6400x128xi32>
    %lt3A = arith.constant 0 : i32
    %lt3A_21 = vector.broadcast %lt3A : i32 to vector<6400x128xi32>
    %lt3A_22 = arith.cmpi slt, %rem3A_18, %lt3A_21 : vector<6400x128xi32>
    %lt3A_23 = arith.constant 0 : i32
    %lt3A_24 = arith.cmpi slt, %select_n3A_17, %lt3A_23 : i32
    %ne3A_25 = vector.broadcast %lt3A_24 : i1 to vector<6400x128xi1>
    %ne3A_26 = vector.broadcast %ne3A_25 : vector<6400x128xi1> to vector<6400x128xi1>
    %ne3A_27 = arith.xori %lt3A_22, %ne3A_26 : vector<6400x128xi1>
    %and3A = arith.andi %ne3A_27, %ne3A_20 : vector<6400x128xi1>
    %add3A_28 = vector.broadcast %select_n3A_17 : i32 to vector<6400x128xi32>
    %add3A_29 = arith.addi %rem3A_18, %add3A_28 : vector<6400x128xi32>
    %select_n3A_30 = arith.select %and3A, %add3A_29, %rem3A_18 : vector<6400x128xi1>, vector<6400x128xi32>
    %eq3A_31 = arith.constant 0 : i32
    %eq3A_32 = vector.broadcast %eq3A_31 : i32 to vector<6400x128xi32>
    %eq3A_33 = arith.cmpi eq, %select_n3A_30, %eq3A_32 : vector<6400x128xi32>
    %select_n3A_34 = arith.select %eq3A_33, %get3A_1, %select_n3A : vector<6400x128xi1>, vector<6400x128xi32>
    %mul3A_35 = arith.constant 3 : i32
    %mul3A_36 = vector.broadcast %mul3A_35 : i32 to vector<6400x128xi32>
    %mul3A_37 = arith.muli %select_n3A_34, %mul3A_36 : vector<6400x128xi32>
    %add3A_38 = arith.addi %mul3A_37, %get3A_1 : vector<6400x128xi32>
    %swap3A = arith.constant 0 : index
    %swap3A_39 = arith.constant 0 : index
    %swap3A_40 = vector.load %arg1[%swap3A, %swap3A_39] : memref<6400x128xi32, #tpu.memory_space<vmem>>, vector<6400x128xi32>
    tpu.vector_store %arg1[%swap3A, %swap3A_39], %add3A_38 {strides = array<i32>} : memref<6400x128xi32, #tpu.memory_space<vmem>>, vector<6400x128xi32>,
    return
  }
}

</mosaic_0001>

<sc_bundles>
// kernel: kernel.4.cloned.1.call-start
scs
__scs_entry_jumppad:
0x0: {  	(pc) =	sbr.rel $0x88, $3  }
0x1: {  	(tag) =	ssettag $0x0;
	lr =	simm.s32 $0x1  }
0x2: {  	[smem:$0x3F9F] =	sst lr;
	_ =	strace $0xD0000000  }
0x3: {  	_ = 	snop  }
0x4: {  	_ = 	snop  }
0x5: {  	_ = 	snop  }
0x6: {  	_ = 	snop  }
0x7: {  	_ = 	snop  }
__scs_overlays_trampoline_lowered:
0x8: {  	[smem:$0x3FAE] =	sst s0  }
0x9: {  	[smem:$0x3FAF] =	sst s1  }
0xa: {  	[smem:$0x3FB0] =	sst s2  }
0xb: {  	[smem:$0x3FB1] =	sst s3  }
0xc: {  	[smem:$0x3FB2] =	sst s4  }
0xd: {  	[smem:$0x3FB3] =	sst s5  }
0xe: {  	[smem:$0x3FB4] =	sst s6  }
0xf: {  	[smem:$0x3FB5] =	sst s7  }
0x10: {  	[smem:$0x3FB6] =	sst s8  }
0x11: {  	[smem:$0x3FB7] =	sst s9;
	s0 =	simm.s32 @!p0 $0x0  }
0x12: {  	s1 =	sld [smem:$0x3F9D];
	s0 =	simm.s32 @p0 $0x1  }
0x13: {  	[smem:$0x3FB8] =	sst s0;
	s0 =	simm.s32 @!p1 $0x0  }
0x14: {  	s2 =	sld [smem:$0x3F9C];
	s0 =	simm.s32 @p1 $0x1  }
0x15: {  	[smem:$0x3FB9] =	sst s0;
	s0 =	simm.s32 @!p2 $0x0  }
0x16: {  	s3 =	sld [smem:$0x3FDB];
	s0 =	simm.s32 @p2 $0x1  }
0x17: {  	s4 =	simm.s32 $0x1BF5;
	[smem:$0x3FBB] =	sst s0  }
0x18: {  	s0 =	sld [smem:$0x3F9E];
	_ =	swait.ge [sflag:s4], $0x0  }
0x19: {  	s7 =	sld [smem:$0x3F9F]  }
0x1a: {  	s8 =	sadd.s32 $0xFFFFE003, lr  }
0x1b: {  	s9 =	sadd.s32 $0xFFFFFEF7, lr;
	s5 =	simm.s32 $0xFFFFFFFF;
	p2 =	slt.u32 s8, $0xFFFFF086  }
0x1c: {  	p1 =	slt.u32 s9, $0xF7A;
	s5 =	simm.s32 @!p2 $0x0  }
0x1d: {  	s5 =	simm.s32 @p1 $0x1;
	p0 =	seq.s32 s7, s2  }
0x1e: {  	s7 =	smul.u32 @!p0 $0xF7A, s2;
	p2 =	seq.s32 @!p0 s5, $0x0  }
0x1f: {  	s9 =	smul.u32 $0xF7A, s1;
	s8 =	simm.s32 @!p0 $0x1BF5;
	p2 =	por !p2, p0  }
0x20: {  	[sflag:s8] =	ssyncset.s32 @!p0 $0xFFFFF086;
	s6 =	sadd.s32 @!p0 s3, s7;
	s7 =	simm.s32 @!p0 $0x108  }
0x21: {  	s3 =	sadd.s32 s3, s9;
	s6 =	sadd.s32 @!p0 $0x88, s6;
	s7 =	simm.s32 @p2 $0x1082  }
0x22: {  	[simem:s7], [sflag:s8] =	dma.local @!p0 [hbm:s6], $0xF7A  }
0x23: {  	s9 =	sor.u32 $0xD0000000, s2;
	s6 =	simm.s32 $0x108;
	_ =	swait.ge @!p0 [sflag:s8], $0x0  }
0x24: {  	s3 =	sadd.s32 $0x88, s3;
	s6 =	simm.s32 @!p1 $0x1082;
	[sflag:s4] =	ssyncset.s32 $0xFFFFF086  }
0x25: {  	[simem:s6], [sflag:s4] =	dma.local [hbm:s3], $0xF7A  }
0x26: {  	[smem:$0x3F9F] =	sst s1;
	(tag) =	ssettag s2;
	_ =	strace s9  }
0x27: {  	s1 =	sld [smem:$0x3FAF]  }
0x28: {  	s2 =	sld [smem:$0x3FB0]  }
0x29: {  	s4 =	sld [smem:$0x3FB2]  }
0x2a: {  	p0 =	seq.s32 s5, $0x0;
	s5 =	sld [smem:$0x3FB3]  }
0x2b: {  	s6 =	sld [smem:$0x3FB4]  }
0x2c: {  	s7 =	sld [smem:$0x3FB5]  }
0x2d: {  	s3 =	simm.s32 $0x108;
	s8 =	sld [smem:$0x3FB6]  }
0x2e: {  	s3 =	simm.s32 @!p0 $0x1082;
	s9 =	sld [smem:$0x3FB7]  }
0x2f: {  	lr =	sadd.s32 s0, s3;
	s0 =	sld [smem:$0x3FAE]  }
0x30: {  	s3 =	sld [smem:$0x3FB1]  }
0x31: {  	[smem:$0x3FBA] =	sst s10  }
0x32: {  	s10 =	sld [smem:$0x3FB8];
	_ =	sdelay $0x3  }
0x33: {  	p0 =	seq.s32 s10, $0x1;
	s10 =	sld [smem:$0x3FBA];
	_ =	sdelay $0x3  }
0x34: {  	[smem:$0x3FBA] =	sst s10  }
0x35: {  	s10 =	sld [smem:$0x3FB9];
	_ =	sdelay $0x3  }
0x36: {  	p1 =	seq.s32 s10, $0x1;
	s10 =	sld [smem:$0x3FBA];
	_ =	sdelay $0x3  }
0x37: {  	[smem:$0x3FBA] =	sst s10  }
0x38: {  	s10 =	sld [smem:$0x3FBB]  }
0x39: {  	_ = 	snop;
	(pc) =	sbr.ind lr, $3  }
0x3a: {  	_ = 	snop  }
0x3b: {  	_ = 	snop  }
0x3c: {  	p2 =	seq.s32 s10, $0x1;
	s10 =	sld [smem:$0x3FBA]  }
0x3d: {  	_ =	shalt  }
0x3e: {  	_ =	shalt  }
0x3f: {  	_ =	shalt  }
0x40: {  	_ =	shalt  }
0x41: {  	_ =	shalt  }
0x42: {  	_ =	shalt  }
0x43: {  	_ =	shalt  }
0x44: {  	_ =	shalt  }
0x45: {  	_ =	shalt  }
0x46: {  	_ =	shalt  }
0x47: {  	_ =	shalt  }
0x48: {  	_ =	shalt  }
0x49: {  	_ =	shalt  }
0x4a: {  	_ =	shalt  }
0x4b: {  	_ =	shalt  }
0x4c: {  	_ =	shalt  }
0x4d: {  	_ =	shalt  }
0x4e: {  	_ =	shalt  }
0x4f: {  	_ =	shalt  }
0x50: {  	_ =	shalt  }
0x51: {  	_ =	shalt  }
0x52: {  	_ =	shalt  }
0x53: {  	_ =	shalt  }
0x54: {  	_ =	shalt  }
0x55: {  	_ =	shalt  }
0x56: {  	_ =	shalt  }
0x57: {  	_ =	shalt  }
0x58: {  	_ =	shalt  }
0x59: {  	_ =	shalt  }
0x5a: {  	_ =	shalt  }
0x5b: {  	_ =	shalt  }
0x5c: {  	_ =	shalt  }
0x5d: {  	_ =	shalt  }
0x5e: {  	_ =	shalt  }
0x5f: {  	_ =	shalt  }
0x60: {  	_ =	shalt  }
0x61: {  	_ =	shalt  }
0x62: {  	_ =	shalt  }
0x63: {  	_ =	shalt  }
0x64: {  	_ =	shalt  }
0x65: {  	_ =	shalt  }
0x66: {  	_ =	shalt  }
0x67: {  	_ =	shalt  }
0x68: {  	_ =	shalt  }
0x69: {  	_ =	shalt  }
0x6a: {  	_ =	shalt  }
0x6b: {  	_ =	shalt  }
0x6c: {  	_ =	shalt  }
0x6d: {  	_ =	shalt  }
0x6e: {  	_ =	shalt  }
0x6f: {  	_ =	shalt  }
0x70: {  	_ =	shalt  }
0x71: {  	_ =	shalt  }
0x72: {  	_ =	shalt  }
0x73: {  	_ =	shalt  }
0x74: {  	_ =	shalt  }
0x75: {  	_ =	shalt  }
0x76: {  	_ =	shalt  }
0x77: {  	_ =	shalt  }
0x78: {  	_ =	shalt  }
0x79: {  	_ =	shalt  }
0x7a: {  	_ =	shalt  }
0x7b: {  	_ =	shalt  }
0x7c: {  	_ =	shalt  }
0x7d: {  	_ =	shalt  }
0x7e: {  	_ =	shalt  }
0x7f: {  	_ =	shalt  }
0x80: {  	_ =	shalt  }
0x81: {  	_ =	shalt  }
0x82: {  	_ =	shalt  }
0x83: {  	_ =	shalt  }
0x84: {  	_ =	shalt  }
0x85: {  	_ =	shalt  }
0x86: {  	_ =	shalt  }
0x87: {  	_ =	shalt  }
.Lfunc_end0:
.L_simem_size_0:
called_computation.2_lowered:
.L_overlay_start_0:
0x88: {  	s2 =	sld [smem:$0x3FD9]  }
0x89: {  	s3 =	sld [smem:$0x3FFE];
	_ =	sdelay $0x1  }
0x8a: {  	s1 =	srdreg.scid  }
0x8b: {  	s0 =	sand.u32 $0x1, s1  }
0x8c: {  	s16 =	sshll.u32 s0, $0xA;
	s2 =	sadd.s32 s3, s2  }
0x8d: {  	s2 =	sadd.s32 s2, s16  }
0x8e: {  	[smem:$0x3FC6] =	sst s2  }
0x8f: {  	_ = 	snop  }
0x90: {  	(tm) =	ssettm $0x1  }
0x91: {  	s17 =	sld [smem:$0x3FFB];
	_ =	sdelay $0x3  }
0x92: {  	_ =	strace s17  }
0x93: {  	s2 =	sld [smem:$0x3FFC];
	_ =	sdelay $0x3  }
0x94: {  	_ =	strace s2  }
0x95: {  	s2 =	sld [smem:$0x3FFD];
	_ =	sdelay $0x3  }
0x96: {  	_ =	strace s2  }
0x97: {  	_ =	strace $0x8FFFFFFF  }
0x98: {  	s18 =	sld [smem:$0x3FDB];
	_ =	sdelay $0x1  }
0x99: {  	s19 =	simm.s32 $_scs_section_size  }
0x9a: {  	s4 =	simm.s32 $_size__tile_overlayer_lowered;
	s5 =	simm.s32 $_tile_overlayer_lowered  }
0x9b: {  	s22 =	simm.s32 $0x1BFF;
	s21 =	sshll.u32 s5, $0x1;
	s2 =	sadd.s32 s19, s18  }
0x9c: {  	s6 =	simm.s32 $0x0;
	s20 =	sshll.u32 s4, $0x1;
	s4 =	sadd.s32 s21, s2  }
0x9d: {  	[timem:s6], [sflag:s22] =	dma.local [hbm:s4], s20  }
0x9e: {  	_ =	swait.ge [sflag:s22], s20  }
0x9f: {  	s3 =	ssub.s32 $0x0, s20;
	[sflag:s22] =	ssyncset.done $0x0  }
0xa0: {  	[sflag:s22] =	ssyncadd.s32 s3;
	_ =	sdelay $0x1  }
0xa1: {  	s23 =	simm.s32 $0x1B8B  }
0xa2: {  	_ =	swait.ge [sflag:s23], $0x1  }
0xa3: {  	[sflag:s23] =	ssyncset.done $0x0  }
0xa4: {  	s25 =	simm.s32 $0x1B8E;
	s24 =	sld [smem:$0x3FFE];
	[sflag:s23] =	ssyncadd.s32 $0xFFFFFFFF  }
0xa5: {  	s26 =	simm.s32 $execute0_lowered;
	[smem:$0x3FD2] =	sst s25  }
0xa6: {  	s4 =	sshll.u32 s26, $0x1;
	_ =	strace $0x80000049;
	[dreg:$0x1] =	wrdreg $0xFFFFFFFF  }
0xa7: {  	s28 =	simm.s32 $_size_execute0_lowered;
	s2 =	sadd.s32 s2, s4;
	[dreg:$0x0] =	wrdreg $0x0  }
0xa8: {  	s4 =	sshll.u32 s28, $0x1;
	[dreg:$0x2] =	wrdreg s2  }
0xa9: {  	[dreg:$0x3] =	wrdreg s4  }
0xaa: {  	[dreg:$0x4] =	wrdreg $0xC0  }
0xab: {  	_ =	task [dreg:s6], $0x5FFFF  }
0xac: {  	[dreg:$0x1] =	wrdreg $0xFFFFFFFF  }
0xad: {  	[dreg:$0x0] =	wrdreg $0x60  }
0xae: {  	[dreg:$0x2] =	wrdreg s24  }
0xaf: {  	[dreg:$0x3] =	wrdreg $0x9  }
0xb0: {  	_ =	task.clear_ibuf [dreg:s6], $0x4FFFF;
	_ =	strace $0x90000049  }
0xb1: {  	s29 =	simm.s32 $0x9;
	_ =	strace $0x8000004B  }
0xb2: {  	_ =	swait.ge [sflag:s29], $0x1  }
0xb3: {  	[sflag:s29] =	ssyncadd.s32 $0xFFFFFFFF  }
0xb4: {  	_ =	strace $0x9000004B  }
0xb5: {  	_ =	sfence  }
0xb6: {  	s30 =	sld [smem:$0x0];
	_ =	sdelay $0x2  }
0xb7: {  	s31 =	sshll.u32 s1, $0xD;
	s1 =	sshrl.u32 s1, $0x2  }
0xb8: {  	s3 =	sand.u32 $0x4000, s31;
	s1 =	sadd.s32 s1, s30  }
0xb9: {  	s0 =	sor.u32 s3, s0;
	s1 =	sshll.u32 s1, $0x11  }
0xba: {  	s0 =	sor.u32 s1, s0  }
0xbb: {  	s0 =	sadd.s32 $0x8F2B, s0  }
0xbc: {  	[sflag:s0] =	ssyncadd.remote.s32 $0x1  }
0xbd: {  	_ =	sfence.sel $0xFFFF  }
0xbe: {  	[dreg:$0x0] =	wrdreg $0xFFFFFFFF;
	(pc) =	sbr.abs _section_cstart, $3  }
0xbf: {  	[dreg:$0x1] =	wrdreg $0xFFFFFFFF  }
0xc0: {  	_ =	task.clear_ibuf [dreg:s6], $0x2FFFF;
	_ =	strace $0x9FFFFFFF  }
0xc1: {  	(tm) =	ssettm $0x7FFFFFFF  }
tec
execute0_lowered:
.L_overlay_start_1:
0x0: {  	(tag) =	ssettag $0x1  }
0x1: {  	s0 =	srdreg.scid;
	s10 =	stileid.u32  }
0x2: {  	s1 =	rddreg [dreg:$0x0];
	s2 =	simm.s32 $0x0;
	s12 =	simm.s32 $0x6400  }
0x3: {  	s13 =	simm.s32 $0x8400;
	s15 =	simm.s32 $0xA400;
	s17 =	simm.s32 $0xC400  }
0x4: {  	s19 =	simm.s32 $0xE400;
	s21 =	simm.s32 $0x10400;
	s22 =	simm.s32 $0x300  }
0x5: {  	s28 =	simm.s32 $0x40;
	s29 =	simm.s32 $0x3;
	s9 =	smul.u32 $0xC8000, s10  }
0x6: {  	s0 =	sand.u32 $0x1, s0;
	s3 =	sshll.u32 s10, $0x1;
	s10 =	smul.u32 $0x640000, s10  }
0x7: {  	s30 =	simm.s32 $0x2;
	[smem:$0x7FF] =	sst s2;
	s11 =	smul.u32 $0x320000, s0  }
0x8: {  	s4 =	sor.u32 s0, s3;
	s7 =	ssub.s32 $0x2, s0;
	s0 =	smul.u32 $0x64000, s0  }
0x9: {  	s31 =	simm.s32 $0x4;
	_ =	strace $0x8000004A;
	s5 =	smul.u32 $0xC80, s4  }
0xa: {  	s3 =	sadd.s32 $0xE00, s1;
	s6 =	smul.u32 $0x320000, s4;
	s23 =	sshrl.u32 s7, $0x1  }
0xb: {  	s8 =	smul.u32 $0x64000, s4;
	s7 =	ssub.s32 s7, s23;
	s26 =	sadd.s32 s11, s10  }
0xc: {  	s10 =	simm.s32 $0x5;
	s11 =	simm.s32 $0x80;
	s23 =	simm.s32 $0x12400  }
0xd: {  	s5 =	sadd.s32 s5, s1;
	s1 =	sadd.s32 $0x327200, s1;
	s6 =	sshrl.u32 s6, $0x3  }
0xe: {  	s4 =	sadd.s32 $0x30E200, s5;
	s6 =	sadd.s32 s1, s6;
	s5 =	smax.u32 s7, $0x1  }
0xf: {  	s24 =	sadd.s32 s8, s1;
	s25 =	sadd.s32 s9, s1;
	s9 =	sshrl.u32 s26, $0x3  }
0x10: {  	s26 =	simm.s32 $0x1;
	s6 =	sadd.s32 $0x60000, s6;
	s7 =	sadd.s32 $0x62000, s24  }
0x11: {  	s0 =	sadd.s32 s0, s25;
	s9 =	sadd.s32 s9, s1;
	s24 =	simm.s32 $0x380  }
0x12: {  	s25 =	simm.s32 $0x14400;
	s1 =	simm.s32 $0x0;
	s8 =	sadd.s32 $0x2000, s0  }
.LBB2_1:
0x13: {  	[tilespmem:s2], [sflag:$0x5] =	stream.linear.gather [hbm4b:s4+s2], $0x6400, $0x38;
	[tilespmem:$0x16400] =	vst v63  }
0x14: {  	_ =	swait.ge [sflag:s10], $0x6400  }
0x15: {  	[sflag:s10] =	ssyncset.done $0x0  }
0x16: {  	[sflag:s10] =	ssyncadd.s32 $0xFFFF9C00  }
0x17: {  	[tilespmem:s12], [sflag:$0x1] =	stream.indirect.gather [hbm4b:s3+s11], $0x40, s2, s11, $0xb8;
	[tilespmem:$0x16400] =	vst v63  }
0x18: {  	_ = 	snop  }
0x19: {  	[tilespmem:s13], [sflag:$0x1] =	stream.indirect.gather [hbm4b:s3+s11], $0x40, s11, s11, $0xb8;
	[tilespmem:$0x16400] =	vst v63  }
0x1a: {  	s0 =	simm.s32 $0x100  }
0x1b: {  	[tilespmem:s15], [sflag:$0x1] =	stream.indirect.gather [hbm4b:s3+s11], $0x40, s0, s11, $0xb8;
	[tilespmem:$0x16400] =	vst v63  }
0x1c: {  	s18 =	simm.s32 $0x180  }
0x1d: {  	[tilespmem:s17], [sflag:$0x1] =	stream.indirect.gather [hbm4b:s3+s11], $0x40, s18, s11, $0xb8;
	[tilespmem:$0x16400] =	vst v63  }
0x1e: {  	s20 =	simm.s32 $0x200  }
0x1f: {  	[tilespmem:s19], [sflag:$0x2] =	stream.indirect.gather [hbm4b:s3+s11], $0x40, s20, s11, $0xb8;
	[tilespmem:$0x16400] =	vst v63  }
0x20: {  	s14 =	simm.s32 $0x280  }
0x21: {  	[tilespmem:s21], [sflag:$0x2] =	stream.indirect.gather [hbm4b:s3+s11], $0x40, s14, s11, $0xb8;
	[tilespmem:$0x16400] =	vst v63  }
0x22: {  	_ = 	snop  }
0x23: {  	[tilespmem:s23], [sflag:$0x2] =	stream.indirect.gather [hbm4b:s3+s11], $0x40, s22, s11, $0xb8;
	[tilespmem:$0x16400] =	vst v63  }
0x24: {  	_ = 	snop  }
0x25: {  	[tilespmem:s25], [sflag:$0x2] =	stream.indirect.gather [hbm4b:s3+s11], $0x40, s24, s11, $0xb8;
	[tilespmem:$0x16400] =	vst v63  }
0x26: {  	_ =	swait.ge [sflag:s26], $0x2000  }
0x27: {  	[sflag:s26] =	ssyncset.done $0x0  }
0x28: {  	[sflag:s26] =	ssyncadd.s32 $0xFFFFE000  }
0x29: {  	_ =	swait.ge [sflag:s26], $0x2000  }
0x2a: {  	[sflag:s26] =	ssyncset.done $0x0  }
0x2b: {  	[sflag:s26] =	ssyncadd.s32 $0xFFFFE000  }
0x2c: {  	_ =	swait.ge [sflag:s26], $0x2000  }
0x2d: {  	[sflag:s26] =	ssyncset.done $0x0  }
0x2e: {  	[sflag:s26] =	ssyncadd.s32 $0xFFFFE000  }
0x2f: {  	_ =	swait.ge [sflag:s26], $0x2000  }
0x30: {  	[sflag:s26] =	ssyncset.done $0x0  }
0x31: {  	[sflag:s26] =	ssyncadd.s32 $0xFFFFE000  }
0x32: {  	[hbm4b:s9+s28] =	stream.strided.scatter [tilespmem:s12], [sflag:$0x3], $0x8000, s11, s28, $0x38;
	[tilespmem:$0x16400] =	vst v63  }
0x33: {  	_ =	swait.ge [sflag:s29], $0x8000  }
0x34: {  	[sflag:s29] =	ssyncset.done $0x0  }
0x35: {  	s16 =	simm.s32 $0x400;
	[sflag:s29] =	ssyncadd.s32 $0xFFFF8000  }
0x36: {  	[tilespmem:s12], [sflag:$0x1] =	stream.indirect.gather [hbm4b:s3+s11], $0x40, s16, s11, $0xb8;
	[tilespmem:$0x16400] =	vst v63  }
0x37: {  	s18 =	simm.s32 $0x480  }
0x38: {  	[tilespmem:s13], [sflag:$0x1] =	stream.indirect.gather [hbm4b:s3+s11], $0x40, s18, s11, $0xb8;
	[tilespmem:$0x16400] =	vst v63  }
0x39: {  	s20 =	simm.s32 $0x500  }
0x3a: {  	[tilespmem:s15], [sflag:$0x1] =	stream.indirect.gather [hbm4b:s3+s11], $0x40, s20, s11, $0xb8;
	[tilespmem:$0x16400] =	vst v63  }
0x3b: {  	s14 =	simm.s32 $0x580  }
0x3c: {  	[tilespmem:s17], [sflag:$0x1] =	stream.indirect.gather [hbm4b:s3+s11], $0x40, s14, s11, $0xb8;
	[tilespmem:$0x16400] =	vst v63  }
0x3d: {  	_ =	swait.ge [sflag:s30], $0x2000  }
0x3e: {  	[sflag:s30] =	ssyncset.done $0x0  }
0x3f: {  	[sflag:s30] =	ssyncadd.s32 $0xFFFFE000  }
0x40: {  	_ =	swait.ge [sflag:s30], $0x2000  }
0x41: {  	[sflag:s30] =	ssyncset.done $0x0  }
0x42: {  	[sflag:s30] =	ssyncadd.s32 $0xFFFFE000  }
0x43: {  	_ =	swait.ge [sflag:s30], $0x2000  }
0x44: {  	[sflag:s30] =	ssyncset.done $0x0  }
0x45: {  	[sflag:s30] =	ssyncadd.s32 $0xFFFFE000  }
0x46: {  	_ =	swait.ge [sflag:s30], $0x2000  }
0x47: {  	[sflag:s30] =	ssyncset.done $0x0  }
0x48: {  	[sflag:s30] =	ssyncadd.s32 $0xFFFFE000  }
0x49: {  	[hbm4b:s8+s28] =	stream.strided.scatter [tilespmem:s19], [sflag:$0x4], $0x8000, s11, s28, $0x38;
	[tilespmem:$0x16400] =	vst v63  }
0x4a: {  	_ =	swait.ge [sflag:s31], $0x8000  }
0x4b: {  	[sflag:s31] =	ssyncset.done $0x0  }
0x4c: {  	s16 =	simm.s32 $0x600;
	[sflag:s31] =	ssyncadd.s32 $0xFFFF8000  }
0x4d: {  	[tilespmem:s19], [sflag:$0x2] =	stream.indirect.gather [hbm4b:s3+s11], $0x40, s16, s11, $0xb8;
	[tilespmem:$0x16400] =	vst v63  }
0x4e: {  	s0 =	simm.s32 $0x1000;
	s18 =	simm.s32 $0x680;
	s20 =	simm.s32 $0x700  }
0x4f: {  	[tilespmem:s21], [sflag:$0x2] =	stream.indirect.gather [hbm4b:s3+s11], $0x40, s18, s11, $0xb8;
	[tilespmem:$0x16400] =	vst v63  }
0x50: {  	s14 =	sadd.s32 $0x4000, s8;
	s16 =	sadd.s32 $0x4000, s9;
	s18 =	simm.s32 $0x780  }
0x51: {  	[tilespmem:s23], [sflag:$0x2] =	stream.indirect.gather [hbm4b:s3+s11], $0x40, s20, s11, $0xb8;
	[tilespmem:$0x16400] =	vst v63  }
.LBB2_2:
0x52: {  	[tilespmem:s25], [sflag:$0x2] =	stream.indirect.gather [hbm4b:s3+s11], $0x40, s18, s11, $0xb8;
	[tilespmem:$0x16400] =	vst v63  }
0x53: {  	s18 =	smov.u32 s0  }
0x54: {  	p0 =	sne.s32 s0, $0x17000;
	s0 =	sadd.s32 $0x1000, s0;
	_ =	swait.ge [sflag:s26], $0x2000  }
0x55: {  	[sflag:s26] =	ssyncset.done $0x0  }
0x56: {  	[sflag:s26] =	ssyncadd.s32 $0xFFFFE000  }
0x57: {  	_ =	swait.ge [sflag:s26], $0x2000  }
0x58: {  	[sflag:s26] =	ssyncset.done $0x0  }
0x59: {  	[sflag:s26] =	ssyncadd.s32 $0xFFFFE000  }
0x5a: {  	_ =	swait.ge [sflag:s26], $0x2000  }
0x5b: {  	[sflag:s26] =	ssyncset.done $0x0  }
0x5c: {  	[sflag:s26] =	ssyncadd.s32 $0xFFFFE000  }
0x5d: {  	_ =	swait.ge [sflag:s26], $0x2000  }
0x5e: {  	[sflag:s26] =	ssyncset.done $0x0  }
0x5f: {  	[sflag:s26] =	ssyncadd.s32 $0xFFFFE000  }
0x60: {  	[hbm4b:s16+s28] =	stream.strided.scatter [tilespmem:s12], [sflag:$0x3], $0x8000, s11, s28, $0x38;
	[tilespmem:$0x16400] =	vst v63  }
0x61: {  	_ =	swait.ge [sflag:s29], $0x8000  }
0x62: {  	s18 =	sshra.s32 s18, $0x2;
	[sflag:s29] =	ssyncset.done $0x0  }
0x63: {  	s20 =	sadd.s32 $0x400, s18;
	[sflag:s29] =	ssyncadd.s32 $0xFFFF8000  }
0x64: {  	[tilespmem:s12], [sflag:$0x1] =	stream.indirect.gather [hbm4b:s3+s11], $0x40, s20, s11, $0xb8;
	[tilespmem:$0x16400] =	vst v63  }
0x65: {  	s20 =	sadd.s32 $0x480, s18  }
0x66: {  	[tilespmem:s13], [sflag:$0x1] =	stream.indirect.gather [hbm4b:s3+s11], $0x40, s20, s11, $0xb8;
	[tilespmem:$0x16400] =	vst v63  }
0x67: {  	s20 =	sadd.s32 $0x500, s18  }
0x68: {  	[tilespmem:s15], [sflag:$0x1] =	stream.indirect.gather [hbm4b:s3+s11], $0x40, s20, s11, $0xb8;
	[tilespmem:$0x16400] =	vst v63  }
0x69: {  	s20 =	sadd.s32 $0x580, s18  }
0x6a: {  	[tilespmem:s17], [sflag:$0x1] =	stream.indirect.gather [hbm4b:s3+s11], $0x40, s20, s11, $0xb8;
	[tilespmem:$0x16400] =	vst v63  }
0x6b: {  	_ =	swait.ge [sflag:s30], $0x2000  }
0x6c: {  	[sflag:s30] =	ssyncset.done $0x0  }
0x6d: {  	[sflag:s30] =	ssyncadd.s32 $0xFFFFE000  }
0x6e: {  	_ =	swait.ge [sflag:s30], $0x2000  }
0x6f: {  	[sflag:s30] =	ssyncset.done $0x0  }
0x70: {  	[sflag:s30] =	ssyncadd.s32 $0xFFFFE000  }
0x71: {  	_ =	swait.ge [sflag:s30], $0x2000  }
0x72: {  	[sflag:s30] =	ssyncset.done $0x0  }
0x73: {  	[sflag:s30] =	ssyncadd.s32 $0xFFFFE000  }
0x74: {  	_ =	swait.ge [sflag:s30], $0x2000  }
0x75: {  	[sflag:s30] =	ssyncset.done $0x0  }
0x76: {  	[sflag:s30] =	ssyncadd.s32 $0xFFFFE000  }
0x77: {  	[hbm4b:s14+s28] =	stream.strided.scatter [tilespmem:s19], [sflag:$0x4], $0x8000, s11, s28, $0x38;
	[tilespmem:$0x16400] =	vst v63  }
0x78: {  	_ =	swait.ge [sflag:s31], $0x8000  }
0x79: {  	[sflag:s31] =	ssyncset.done $0x0  }
0x7a: {  	s20 =	sadd.s32 $0x600, s18;
	[sflag:s31] =	ssyncadd.s32 $0xFFFF8000  }
0x7b: {  	[tilespmem:s19], [sflag:$0x2] =	stream.indirect.gather [hbm4b:s3+s11], $0x40, s20, s11, $0xb8;
	[tilespmem:$0x16400] =	vst v63  }
.Ltmp0:
0x7c: {  	s20 =	sadd.s32 $0x680, s18;
	(pc) =	sbr.rel @p0 .LBB2_2-.Ltmp0, $4  }
0x7d: {  	[tilespmem:s21], [sflag:$0x2] =	stream.indirect.gather [hbm4b:s3+s11], $0x40, s20, s11, $0xb8;
	[tilespmem:$0x16400] =	vst v63  }
0x7e: {  	s20 =	sadd.s32 $0x700, s18  }
0x7f: {  	[tilespmem:s23], [sflag:$0x2] =	stream.indirect.gather [hbm4b:s3+s11], $0x40, s20, s11, $0xb8;
	[tilespmem:$0x16400] =	vst v63  }
0x80: {  	s16 =	sadd.s32 $0x4000, s16;
	s14 =	sadd.s32 $0x4000, s14;
	s18 =	sadd.s32 $0x780, s18  }
0x81: {  	[tilespmem:s25], [sflag:$0x2] =	stream.indirect.gather [hbm4b:s3+s11], $0x40, s18, s11, $0xb8;
	[tilespmem:$0x16400] =	vst v63  }
0x82: {  	_ =	swait.ge [sflag:s26], $0x2000  }
0x83: {  	[sflag:s26] =	ssyncset.done $0x0  }
0x84: {  	[sflag:s26] =	ssyncadd.s32 $0xFFFFE000  }
0x85: {  	_ =	swait.ge [sflag:s26], $0x2000  }
0x86: {  	[sflag:s26] =	ssyncset.done $0x0  }
0x87: {  	[sflag:s26] =	ssyncadd.s32 $0xFFFFE000  }
0x88: {  	_ =	swait.ge [sflag:s26], $0x2000  }
0x89: {  	[sflag:s26] =	ssyncset.done $0x0  }
0x8a: {  	[sflag:s26] =	ssyncadd.s32 $0xFFFFE000  }
0x8b: {  	_ =	swait.ge [sflag:s26], $0x2000  }
0x8c: {  	[sflag:s26] =	ssyncset.done $0x0  }
0x8d: {  	[sflag:s26] =	ssyncadd.s32 $0xFFFFE000  }
0x8e: {  	[hbm4b:s6+s28] =	stream.strided.scatter [tilespmem:s12], [sflag:$0x3], $0x8000, s11, s28, $0x38;
	[tilespmem:$0x16400] =	vst v63  }
0x8f: {  	_ =	swait.ge [sflag:s29], $0x8000  }
0x90: {  	[sflag:s29] =	ssyncset.done $0x0  }
0x91: {  	[sflag:s29] =	ssyncadd.s32 $0xFFFF8000  }
0x92: {  	_ =	swait.ge [sflag:s30], $0x2000  }
0x93: {  	[sflag:s30] =	ssyncset.done $0x0  }
0x94: {  	[sflag:s30] =	ssyncadd.s32 $0xFFFFE000  }
0x95: {  	_ =	swait.ge [sflag:s30], $0x2000  }
0x96: {  	[sflag:s30] =	ssyncset.done $0x0  }
0x97: {  	[sflag:s30] =	ssyncadd.s32 $0xFFFFE000  }
0x98: {  	_ =	swait.ge [sflag:s30], $0x2000  }
0x99: {  	[sflag:s30] =	ssyncset.done $0x0  }
0x9a: {  	[sflag:s30] =	ssyncadd.s32 $0xFFFFE000  }
0x9b: {  	s1 =	sadd.s32 $0x1, s1;
	_ =	swait.ge [sflag:s30], $0x2000  }
0x9c: {  	p0 =	sne.s32 s1, s5;
	[sflag:s30] =	ssyncset.done $0x0  }
.Ltmp1:
0x9d: {  	[sflag:s30] =	ssyncadd.s32 $0xFFFFE000;
	(pc) =	sbr.rel @p0 .LBB2_1-.Ltmp1, $4  }
0x9e: {  	[hbm4b:s7+s28] =	stream.strided.scatter [tilespmem:s19], [sflag:$0x4], $0x8000, s11, s28, $0x38;
	[tilespmem:$0x16400] =	vst v63  }
0x9f: {  	_ =	swait.ge [sflag:s31], $0x8000  }
0xa0: {  	[sflag:s31] =	ssyncset.done $0x0  }
0xa1: {  	[sflag:s31] =	ssyncadd.s32 $0xFFFF8000  }
0xa2: {  	_ =	sfence.sel $0x180000  }
0xa3: {  	[bflag:$0x0] =	sbarrier.arrive $0xFFFF  }
0xa4: {  	_ =	strace $0x9000004A  }
0xa5: {  	s0 =	stileid.u32;
	[bflag:$0x2] =	sbarrier.arrive $0xFFFF  }
0xa6: {  	p0 =	sne.s32 s0, $0x0;
	s0 =	rddreg [dreg:$0x1]  }
0xa7: {  	s0 =	sadd.s32 @!p0 $0x100000, s0  }
0xa8: {  	[sflag:s0] =	ssyncadd.tile.s32 @!p0 $0x1;
	_ =	shalt  }
.Lfunc_end2:
_tile_overlayer_lowered:
.L_overlay_start_2:
0xa9: {  	(tag) =	ssettag $0x2  }
0xaa: {  	s0 =	rddreg [dreg:$0x0];
	s2 =	stileid.u32  }
0xab: {  	s1 =	rddreg [dreg:$0x1];
	p0 =	sne.s32 s2, $0x0  }
0xac: {  	s3 =	rddreg [dreg:$0x2];
	[bflag:$0x3] =	sbarrier.arrive $0xFFFF;
	s2 =	simm.s32 @!p0 $0x1C05  }
0xad: {  	[timem:s3], [sflag:s2] =	dma.local @!p0 [hbm:s0], s1  }
0xae: {  	s0 =	simm.s32 @!p0 $0x5  }
0xaf: {  	_ =	swait.ge @!p0 [sflag:s0], s1  }
0xb0: {  	s1 =	ssub.s32 @!p0 $0x0, s1;
	[sflag:s0] =	ssyncset.done @!p0 $0x0  }
0xb1: {  	[sflag:s0] =	ssyncadd.s32 @!p0 s1  }
0xb2: {  	[bflag:$0x3] =	sbarrier.arrive $0xFFFF  }
0xb3: {  	_ =	shalt  }

// kernel: sparse-core-data-format-call.1.cloned.1.call-start
scs
called_computation.1_lowered:
.L_overlay_start_0:
0x0: {  	s2 =	sld [smem:$0x3FD9]  }
0x1: {  	s3 =	sld [smem:$0x3FFE];
	_ =	sdelay $0x1  }
0x2: {  	s1 =	srdreg.scid  }
0x3: {  	s0 =	sand.u32 $0x1, s1  }
0x4: {  	s18 =	sshll.u32 s0, $0xA;
	s2 =	sadd.s32 s3, s2  }
0x5: {  	s2 =	sadd.s32 s2, s18  }
0x6: {  	[smem:$0x3FC6] =	sst s2  }
0x7: {  	_ = 	snop  }
0x8: {  	s2 =	sld [smem:$0x3FD0];
	(tm) =	ssettm $0x1  }
0x9: {  	s19 =	sld [smem:$0x3FFB];
	_ =	sdelay $0x3  }
0xa: {  	_ =	strace s19  }
0xb: {  	s3 =	sld [smem:$0x3FFC];
	_ =	sdelay $0x3  }
0xc: {  	_ =	strace s3  }
0xd: {  	s3 =	sld [smem:$0x3FFD];
	_ =	sdelay $0x3  }
0xe: {  	_ =	strace s3  }
0xf: {  	_ =	strace $0x8FFFFFFF  }
0x10: {  	s20 =	sld [smem:$0x3FDB];
	_ =	sdelay $0x1  }
0x11: {  	s4 =	simm.s32 $_scs_section_size  }
0x12: {  	s5 =	simm.s32 $_size__tile_overlayer_lowered;
	s6 =	simm.s32 $_tile_overlayer_lowered  }
0x13: {  	s23 =	simm.s32 $0x1BFF;
	s22 =	sshll.u32 s6, $0x1;
	s3 =	sadd.s32 s4, s20  }
0x14: {  	s7 =	simm.s32 $0x0;
	s21 =	sshll.u32 s5, $0x1;
	s5 =	sadd.s32 s22, s3  }
0x15: {  	[timem:s7], [sflag:s23] =	dma.local [hbm:s5], s21  }
0x16: {  	_ =	swait.ge [sflag:s23], s21  }
0x17: {  	s4 =	ssub.s32 $0x0, s21;
	[sflag:s23] =	ssyncset.done $0x0  }
0x18: {  	[sflag:s23] =	ssyncadd.s32 s4;
	_ =	sdelay $0x1  }
0x19: {  	s24 =	simm.s32 $0x1B8B  }
0x1a: {  	_ =	swait.ge [sflag:s24], $0x1  }
0x1b: {  	[sflag:s24] =	ssyncset.done $0x0  }
0x1c: {  	s26 =	simm.s32 $0x1B8E;
	s25 =	sld [smem:$0x3FFE];
	[sflag:s24] =	ssyncadd.s32 $0xFFFFFFFF  }
0x1d: {  	s27 =	simm.s32 $execute0_lowered;
	[smem:$0x3FD2] =	sst s26  }
0x1e: {  	s5 =	sshll.u32 s27, $0x1;
	_ =	strace $0x80000046;
	[dreg:$0x1] =	wrdreg $0xFFFFFFFF  }
0x1f: {  	s28 =	simm.s32 $_size_execute0_lowered;
	s3 =	sadd.s32 s3, s5;
	[dreg:$0x0] =	wrdreg $0x0  }
0x20: {  	s5 =	sshll.u32 s28, $0x1;
	[dreg:$0x2] =	wrdreg s3  }
0x21: {  	[dreg:$0x3] =	wrdreg s5  }
0x22: {  	[dreg:$0x4] =	wrdreg $0xC0  }
0x23: {  	_ =	task [dreg:s7], $0x5FFFF  }
0x24: {  	[dreg:$0x1] =	wrdreg $0xFFFFFFFF  }
0x25: {  	[dreg:$0x0] =	wrdreg $0x60  }
0x26: {  	[dreg:$0x2] =	wrdreg s25  }
0x27: {  	[dreg:$0x3] =	wrdreg s2  }
0x28: {  	[dreg:$0x4] =	wrdreg $0x9  }
0x29: {  	_ =	task.clear_ibuf [dreg:s7], $0x5FFFF;
	_ =	strace $0x90000046  }
0x2a: {  	s29 =	simm.s32 $0x9;
	_ =	strace $0x80000048  }
0x2b: {  	_ =	swait.ge [sflag:s29], $0x1  }
0x2c: {  	[sflag:s29] =	ssyncadd.s32 $0xFFFFFFFF  }
0x2d: {  	_ =	strace $0x90000048  }
0x2e: {  	_ =	sfence  }
0x2f: {  	s30 =	sld [smem:$0x0];
	_ =	sdelay $0x2  }
0x30: {  	s31 =	sshll.u32 s1, $0xD;
	s1 =	sshrl.u32 s1, $0x2  }
0x31: {  	s3 =	sand.u32 $0x4000, s31;
	s1 =	sadd.s32 s1, s30  }
0x32: {  	s0 =	sor.u32 s3, s0;
	s1 =	sshll.u32 s1, $0x11  }
0x33: {  	s0 =	sor.u32 s1, s0  }
0x34: {  	s0 =	sadd.s32 $0x8F2B, s0  }
0x35: {  	[sflag:s0] =	ssyncadd.remote.s32 $0x1  }
0x36: {  	_ =	sfence.sel $0xFFFF  }
0x37: {  	[dreg:$0x0] =	wrdreg $0xFFFFFFFF;
	(pc) =	sbr.abs _section_cstart, $3  }
0x38: {  	[dreg:$0x1] =	wrdreg $0xFFFFFFFF  }
0x39: {  	_ =	task.clear_ibuf [dreg:s7], $0x2FFFF;
	_ =	strace $0x9FFFFFFF  }
0x3a: {  	(tm) =	ssettm $0x7FFFFFFF  }
0x3b: {  	_ =	shalt  }
tec
execute0_lowered:
.L_overlay_start_1:
0x0: {  	(tag) =	ssettag $0x1  }
0x1: {  	s0 =	srdreg.scid;
	s6 =	rddreg [dreg:$0x0]  }
0x2: {  	s3 =	rddreg [dreg:$0x1];
	s1 =	sshll.u32 s0, $0x4  }
0x3: {  	s7 =	simm.s32 $0x1;
	s0 =	stileid.u32;
	s1 =	sand.u32 $0x10, s1  }
0x4: {  	s8 =	simm.s32 $0x2;
	s13 =	simm.s32 $0x0;
	s1 =	sor.u32 s0, s1  }
0x5: {  	s12 =	simm.s32 $0x0;
	s10 =	simm.s32 $0x0;
	s2 =	sshll.u32 s1, $0x7  }
0x6: {  	s11 =	simm.s32 $0x0;
	s6 =	sadd.s32 $0xE00, s6;
	s5 =	ssub.s32 $0x61A80, s2  }
.Ltmp0:
0x7: {  	s1 =	rddreg [dreg:$0x2];
	s4 =	sand.u32 $0xF80, s5;
	(pc) =	sbr.rel .LBB1_1-.Ltmp0, $4  }
0x8: {  	_ =	strace $0x80000047;
	s9 =	smov.u32 s2;
	p0 =	sne.s32 s4, $0x0  }
0x9: {  	s5 =	sshrl.u32 s5, $0xC;
	s4 =	simm.s32 $0x1;
	s7 =	simm.s32 @!p0 $0x0  }
0xa: {  	[sflag:s4] =	ssyncpa.u1 $0x0;
	p0 =	por $0x0, $0x0;
	s5 =	sadd.s32 s7, s5  }
0xb: {  	[sflag:s8] =	ssyncpa.u1 $0x0;
	s8 =	simm.s32 $0x80;
	s7 =	sadd.s32 $0x1, s5  }
.LBB1_4:
0xc: {  	s13 =	sshll.u32 s13, $0x7;
	s19 =	sshll.u32 s12, $0x3  }
0xd: {  	v5 =	vld [tilespmem:s17+$0xFFFFFFD0];
	[tilespmem:s16+$0x1040 ss:$0x41] =	vst.msk $0xffff, v4;
	s20 =	sand.u32 $0xFFFFFC00, s13;
	s19 =	sand.u32 $0xFFFFFC00, s19  }
0xe: {  	v58 =	vld [tilespmem:s17+$0xFFFFFFE0];
	[tilespmem:s16+$0x1450 ss:$0x41] =	vst.msk $0xffff, v3;
	s13 =	sand.u32 $0x380, s13;
	s19 =	sadd.s32 s19, s20  }
0xf: {  	s18 =	sshra.s32 s18, $0x2;
	v59 =	vld [tilespmem:s17+$0xFFFFFFF0];
	[tilespmem:s16+$0x1860 ss:$0x41] =	vst.msk $0xffff, v2;
	s13 =	sor.u32 s13, s19  }
0x10: {  	v60 =	vld [tilespmem:s17+$0x0];
	[tilespmem:s16+$0x0 ss:$0x41] =	vst.msk $0xffff, v0;
	s15 =	sadd.s32 s18, s15;
	s13 =	sshrl.u32 s13, $0x7  }
0x11: {  	v61 =	vld [tilespmem:s17+$0x10];
	[tilespmem:s15+$0x1C70 ss:$0x41] =	vst.msk $0xffff, v1;
	s28 =	smulhi.u32 $0x14F8B59, s13  }
0x12: {  	v62 =	vld [tilespmem:s17+$0x20];
	[tilespmem:s15+$0x410 ss:$0x41] =	vst.msk $0xffff, v5  }
0x13: {  	v63 =	vld [tilespmem:s17+$0xFFFFFFC0];
	[tilespmem:s15+$0x820 ss:$0x41] =	vst.msk $0xffff, v58;
	s16 =	sshrl.u32 s28, $0xB  }
0x14: {  	[tilespmem:s15+$0xC30 ss:$0x41] =	vst.msk $0xffff, v59;
	s16 =	smul.u32 $0x61A80, s16  }
0x15: {  	s29 =	sshrl.u32 s12, $0x3;
	[tilespmem:s15+$0x1040 ss:$0x41] =	vst.msk $0xffff, v60  }
0x16: {  	s31 =	sand.u32 $0x7, s12;
	s30 =	sand.u32 $0xF, s29;
	[tilespmem:s15+$0x1450 ss:$0x41] =	vst.msk $0xffff, v61;
	s13 =	ssub.s32 s13, s16  }
0x17: {  	s12 =	sshll.u32 s31, $0x12;
	[tilespmem:s15+$0x1860 ss:$0x41] =	vst.msk $0xffff, v62;
	s16 =	sadd.s32 s3, s30;
	s13 =	sshll.u32 s13, $0x4  }
0x18: {  	s12 =	sor.u32 $0x40, s12;
	[tilespmem:s15+$0x0 ss:$0x41] =	vst.msk $0xffff, v63;
	s13 =	sadd.s32 s13, s16  }
0x19: {  	[hbm4b:s13+s12] =	stream.strided.scatter [tilespmem:s14], [sflag:$0x2], $0x2000, s8, s12, $0x18;
	[tilespmem:$0x8100] =	vst v63  }
.LBB1_5:
0x1a: {  	s14 =	sadd.s32 $0x1000, s9  }
0x1b: {  	s12 =	sadd.s32 $0x40, s10;
	s16 =	smov.u32 s10;
	p2 =	sgt.s32 s14, $0x61A7F  }
0x1c: {  	s16 =	smov.u32 @p2 s12  }
0x1d: {  	s14 =	smov.u32 @p2 s2;
	p2 =	sgt.s32 s16, $0x3F  }
0x1e: {  	s16 =	simm.s32 @p2 $0x0;
	p2 =	sne.s32 s11, s7  }
.Ltmp1:
0x1f: {  	p1 =	slt.u32 s11, $0x2;
	(pc) =	sbr.rel @!p2 .LBB1_6-.Ltmp1, $4  }
0x20: {  	s15 =	simm.s32 @!p1 $0x2  }
0x21: {  	s13 =	smov.u32 s9;
	p0 =	por !p0, !p0;
	_ =	swait.ge @!p1 [sflag:s15], $0x2000  }
0x22: {  	s12 =	smov.u32 s10;
	[sflag:s15] =	ssyncset.done @!p1 $0x0;
	s9 =	smov.u32 s14  }
0x23: {  	s11 =	sadd.s32 $0x1, s11;
	[sflag:s15] =	ssyncadd.s32 @!p1 $0xFFFFE000;
	s10 =	smov.u32 s16  }
.LBB1_1:
0x24: {  	p1 =	sge.u32 s11, s5  }
0x25: {  	s14 =	sshrl.u32 @!p1 s10, $0x3  }
0x26: {  	s15 =	sshll.u32 @!p1 s9, $0x3;
	s14 =	smul.u32 @!p1 $0x30D400, s14  }
0x27: {  	s16 =	sshll.u32 @!p1 s10, $0x7;
	s15 =	sand.u32 @!p1 $0xFFFFFC00, s15  }
0x28: {  	s14 =	sadd.s32 @!p1 s14, s15;
	s15 =	sand.u32 @!p1 $0x380, s16  }
0x29: {  	s14 =	sor.u32 @!p1 s15, s14  }
0x2a: {  	s15 =	sshrl.u32 @!p1 s14, $0x7  }
0x2b: {  	s15 =	smulhi.u32 @!p1 $0x14F8B59, s15;
	_ =	sdelay $0x1  }
0x2c: {  	s15 =	sshrl.u32 @!p1 s15, $0x4  }
0x2d: {  	s16 =	sand.u32 @!p1 $0x7F, s9;
	s17 =	smul.u32 @!p1 $0x61A80, s15  }
0x2e: {  	s31 =	sadd.s32 $0xFFFFFFFF, s11;
	s14 =	sor.u32 @!p1 s16, s14;
	s16 =	sxor.u32 @!p1 $0xFFFFFFFF, s11  }
0x2f: {  	s16 =	sshll.u32 @!p1 s16, $0xD;
	s15 =	sand.u32 @!p1 $0x3F, s15;
	s14 =	ssub.s32 @!p1 s14, s17  }
0x30: {  	s15 =	smul.u32 @!p1 $0xC350, s15;
	s17 =	sshrl.u32 @!p1 s14, $0x3;
	s14 =	sand.u32 @!p1 $0x7, s14  }
0x31: {  	s16 =	sand.u32 @!p1 $0x2000, s16;
	s17 =	sadd.s32 @!p1 s6, s17;
	s14 =	sshll.u32 @!p1 s14, $0x12  }
0x32: {  	s15 =	sadd.s32 @!p1 s15, s17;
	s14 =	sor.u32 @!p1 $0x400, s14;
	s17 =	simm.s32 @!p1 $0x30D400  }
0x33: {  	[tilespmem:s16], [sflag:$0x1] =	stream.strided.gather @!p1 [hbm4b:s15+s14], $0x2000, s17, s14, $0x38;
	[tilespmem:$0x8100] =	vst v63  }
0x34: {  	p1 =	sge.u32 s31, s5  }
.Ltmp2:
0x35: {  	_ = 	snop;
	(pc) =	sbr.rel @p1 .LBB1_5-.Ltmp2, $1  }
0x36: {  	_ =	sdelay $0x3  }
0x37: {  	s14 =	simm.s32 $0x1  }
0x38: {  	_ =	swait.ge [sflag:s4], $0x2000;
	s14 =	simm.s32 @!p0 $0x0  }
0x39: {  	[sflag:s4] =	ssyncset.done $0x0;
	s15 =	sshll.u32 s14, $0xD  }
0x3a: {  	[sflag:s4] =	ssyncadd.s32 $0xFFFFE000;
	s17 =	sor.u32 $0x40, s15  }
0x3b: {  	s14 =	smul.u32 $0x8200, s14;
	v0 =	vld [tilespmem:s17+$0x30]  }
0x3c: {  	v1 =	vld [tilespmem:s17+$0xFFFFFFD0]  }
0x3d: {  	s14 =	sshrl.u32 s14, $0x2;
	v5 =	vld [tilespmem:s17+$0xFFFFFFE0]  }
0x3e: {  	v6 =	vld [tilespmem:s17+$0xFFFFFFF0];
	s15 =	sor.u32 $0x4000, s14  }
0x3f: {  	s31 =	sand.u32 $0x1, s11;
	v4 =	vld [tilespmem:s17+$0x0];
	s16 =	sadd.s32 $0x0, s15  }
0x40: {  	v3 =	vld [tilespmem:s17+$0x10];
	s14 =	smul.u32 $0x8200, s31;
	[tilespmem:s16+$0x1C70 ss:$0x41] =	vst.msk $0xffff, v0  }
0x41: {  	v2 =	vld [tilespmem:s17+$0x20];
	[tilespmem:s16+$0x410 ss:$0x41] =	vst.msk $0xffff, v1  }
0x42: {  	s14 =	sshrl.u32 s14, $0x2;
	v0 =	vld [tilespmem:s17+$0xFFFFFFC0];
	[tilespmem:s16+$0x820 ss:$0x41] =	vst.msk $0xffff, v5;
	s17 =	sadd.s32 $0x80, s17  }
0x43: {  	s18 =	simm.s32 $0x4;
	s19 =	simm.s32 $0x8;
	s14 =	sor.u32 $0x4000, s14;
	[tilespmem:s16+$0xC30 ss:$0x41] =	vst.msk $0xffff, v6;
	v1 =	vld [tilespmem:s17+$0x30]  }
.LBB1_3:
0x44: {  	p1 =	sne.s32 s19, $0xFC;
	v5 =	vld [tilespmem:s17+$0xFFFFFFD0];
	[tilespmem:s16+$0x1040 ss:$0x41] =	vst.msk $0xffff, v4  }
0x45: {  	v6 =	vld [tilespmem:s17+$0xFFFFFFE0];
	[tilespmem:s16+$0x1450 ss:$0x41] =	vst.msk $0xffff, v3  }
0x46: {  	s20 =	sshra.s32 s18, $0x2;
	s18 =	smov.u32 s19;
	v7 =	vld [tilespmem:s17+$0xFFFFFFF0];
	[tilespmem:s16+$0x1860 ss:$0x41] =	vst.msk $0xffff, v2  }
.Ltmp3:
0x47: {  	v4 =	vld [tilespmem:s17+$0x0];
	[tilespmem:s16+$0x0 ss:$0x41] =	vst.msk $0xffff, v0;
	s16 =	sadd.s32 s20, s15;
	(pc) =	sbr.rel @p1 .LBB1_3-.Ltmp3, $4  }
0x48: {  	v3 =	vld [tilespmem:s17+$0x10];
	[tilespmem:s16+$0x1C70 ss:$0x41] =	vst.msk $0xffff, v1  }
0x49: {  	[tilespmem:s16+$0x410 ss:$0x41] =	vst.msk $0xffff, v5;
	v2 =	vld [tilespmem:s17+$0x20]  }
0x4a: {  	v0 =	vld [tilespmem:s17+$0xFFFFFFC0];
	[tilespmem:s16+$0x820 ss:$0x41] =	vst.msk $0xffff, v6;
	s17 =	sadd.s32 $0x80, s17  }
0x4b: {  	s19 =	sadd.s32 $0x4, s19;
	v1 =	vld [tilespmem:s17+$0x30];
	[tilespmem:s16+$0xC30 ss:$0x41] =	vst.msk $0xffff, v7  }
.Ltmp4:
0x4c: {  	_ = 	snop;
	(pc) =	sbr.rel .LBB1_4-.Ltmp4, $1  }
0x4d: {  	_ =	sdelay $0x3  }
.LBB1_6:
0x4e: {  	_ =	sfence.sel $0x180000  }
0x4f: {  	s2 =	simm.s32 $0x1;
	[bflag:$0x0] =	sbarrier.arrive $0xFFFF  }
0x50: {  	s31 =	simm.s32 $0x2;
	[sflag:s2] =	ssyncpa.u1 $0x1  }
0x51: {  	[sflag:s31] =	ssyncpa.u1 $0x1  }
0x52: {  	p0 =	sne.s32 s0, $0x0;
	_ =	strace $0x90000047  }
0x53: {  	s0 =	sadd.s32 @!p0 $0x100000, s1;
	[bflag:$0x2] =	sbarrier.arrive $0xFFFF  }
0x54: {  	[sflag:s0] =	ssyncadd.tile.s32 @!p0 $0x1;
	_ =	shalt  }
.Lfunc_end1:
_tile_overlayer_lowered:
.L_overlay_start_2:
0x55: {  	(tag) =	ssettag $0x2  }
0x56: {  	s0 =	rddreg [dreg:$0x0];
	s2 =	stileid.u32  }
0x57: {  	s1 =	rddreg [dreg:$0x1];
	p0 =	sne.s32 s2, $0x0  }
0x58: {  	s3 =	rddreg [dreg:$0x2];
	[bflag:$0x3] =	sbarrier.arrive $0xFFFF;
	s2 =	simm.s32 @!p0 $0x1C01  }
0x59: {  	[timem:s3], [sflag:s2] =	dma.local @!p0 [hbm:s0], s1  }
0x5a: {  	s0 =	simm.s32 @!p0 $0x1  }
0x5b: {  	_ =	swait.ge @!p0 [sflag:s0], s1  }
0x5c: {  	s1 =	ssub.s32 @!p0 $0x0, s1;
	[sflag:s0] =	ssyncset.done @!p0 $0x0  }
0x5d: {  	[sflag:s0] =	ssyncadd.s32 @!p0 s1  }
0x5e: {  	[bflag:$0x3] =	sbarrier.arrive $0xFFFF  }
0x5f: {  	_ =	shalt  }

// kernel: sparse-core-data-format-call.cloned.1.call-start
scs
called_computation_lowered:
.L_overlay_start_0:
0x0: {  	s2 =	sld [smem:$0x3FD9]  }
0x1: {  	s3 =	sld [smem:$0x3FFE];
	_ =	sdelay $0x1  }
0x2: {  	s1 =	srdreg.scid  }
0x3: {  	s0 =	sand.u32 $0x1, s1  }
0x4: {  	s18 =	sshll.u32 s0, $0xA;
	s2 =	sadd.s32 s3, s2  }
0x5: {  	s2 =	sadd.s32 s2, s18  }
0x6: {  	[smem:$0x3FC6] =	sst s2  }
0x7: {  	_ = 	snop  }
0x8: {  	s2 =	sld [smem:$0x3FD0];
	(tm) =	ssettm $0x1  }
0x9: {  	s19 =	sld [smem:$0x3FFB];
	_ =	sdelay $0x3  }
0xa: {  	_ =	strace s19  }
0xb: {  	s3 =	sld [smem:$0x3FFC];
	_ =	sdelay $0x3  }
0xc: {  	_ =	strace s3  }
0xd: {  	s3 =	sld [smem:$0x3FFD];
	_ =	sdelay $0x3  }
0xe: {  	_ =	strace s3  }
0xf: {  	_ =	strace $0x8FFFFFFF  }
0x10: {  	s20 =	sld [smem:$0x3FDB];
	_ =	sdelay $0x1  }
0x11: {  	s4 =	simm.s32 $_scs_section_size  }
0x12: {  	s5 =	simm.s32 $_size__tile_overlayer_lowered;
	s6 =	simm.s32 $_tile_overlayer_lowered  }
0x13: {  	s23 =	simm.s32 $0x1BFF;
	s22 =	sshll.u32 s6, $0x1;
	s3 =	sadd.s32 s4, s20  }
0x14: {  	s7 =	simm.s32 $0x0;
	s21 =	sshll.u32 s5, $0x1;
	s5 =	sadd.s32 s22, s3  }
0x15: {  	[timem:s7], [sflag:s23] =	dma.local [hbm:s5], s21  }
0x16: {  	_ =	swait.ge [sflag:s23], s21  }
0x17: {  	s4 =	ssub.s32 $0x0, s21;
	[sflag:s23] =	ssyncset.done $0x0  }
0x18: {  	[sflag:s23] =	ssyncadd.s32 s4;
	_ =	sdelay $0x1  }
0x19: {  	s24 =	simm.s32 $0x1B8B  }
0x1a: {  	_ =	swait.ge [sflag:s24], $0x1  }
0x1b: {  	[sflag:s24] =	ssyncset.done $0x0  }
0x1c: {  	s26 =	simm.s32 $0x1B8E;
	s25 =	sld [smem:$0x3FFE];
	[sflag:s24] =	ssyncadd.s32 $0xFFFFFFFF  }
0x1d: {  	s27 =	simm.s32 $execute0_lowered;
	[smem:$0x3FD2] =	sst s26  }
0x1e: {  	s5 =	sshll.u32 s27, $0x1;
	_ =	strace $0x8000004C;
	[dreg:$0x1] =	wrdreg $0xFFFFFFFF  }
0x1f: {  	s28 =	simm.s32 $_size_execute0_lowered;
	s3 =	sadd.s32 s3, s5;
	[dreg:$0x0] =	wrdreg $0x0  }
0x20: {  	s5 =	sshll.u32 s28, $0x1;
	[dreg:$0x2] =	wrdreg s3  }
0x21: {  	[dreg:$0x3] =	wrdreg s5  }
0x22: {  	[dreg:$0x4] =	wrdreg $0xC0  }
0x23: {  	_ =	task [dreg:s7], $0x5FFFF  }
0x24: {  	[dreg:$0x1] =	wrdreg $0xFFFFFFFF  }
0x25: {  	[dreg:$0x0] =	wrdreg $0x60  }
0x26: {  	[dreg:$0x2] =	wrdreg s25  }
0x27: {  	[dreg:$0x3] =	wrdreg s2  }
0x28: {  	[dreg:$0x4] =	wrdreg $0x9  }
0x29: {  	_ =	task.clear_ibuf [dreg:s7], $0x5FFFF;
	_ =	strace $0x9000004C  }
0x2a: {  	s29 =	simm.s32 $0x9;
	_ =	strace $0x8000004E  }
0x2b: {  	_ =	swait.ge [sflag:s29], $0x1  }
0x2c: {  	[sflag:s29] =	ssyncadd.s32 $0xFFFFFFFF  }
0x2d: {  	_ =	strace $0x9000004E  }
0x2e: {  	_ =	sfence  }
0x2f: {  	s30 =	sld [smem:$0x0];
	_ =	sdelay $0x2  }
0x30: {  	s31 =	sshll.u32 s1, $0xD;
	s1 =	sshrl.u32 s1, $0x2  }
0x31: {  	s3 =	sand.u32 $0x4000, s31;
	s1 =	sadd.s32 s1, s30  }
0x32: {  	s0 =	sor.u32 s3, s0;
	s1 =	sshll.u32 s1, $0x11  }
0x33: {  	s0 =	sor.u32 s1, s0  }
0x34: {  	s0 =	sadd.s32 $0x8F2B, s0  }
0x35: {  	[sflag:s0] =	ssyncadd.remote.s32 $0x1  }
0x36: {  	_ =	sfence.sel $0xFFFF  }
0x37: {  	[dreg:$0x0] =	wrdreg $0xFFFFFFFF;
	(pc) =	sbr.abs _section_cstart, $3  }
0x38: {  	[dreg:$0x1] =	wrdreg $0xFFFFFFFF  }
0x39: {  	_ =	task.clear_ibuf [dreg:s7], $0x2FFFF;
	_ =	strace $0x9FFFFFFF  }
0x3a: {  	(tm) =	ssettm $0x7FFFFFFF  }
0x3b: {  	_ =	shalt  }
tec
execute0_lowered:
.L_overlay_start_1:
0x0: {  	(tag) =	ssettag $0x1  }
0x1: {  	s0 =	srdreg.scid  }
0x2: {  	s1 =	sshll.u32 s0, $0x4  }
0x3: {  	s0 =	stileid.u32;
	s1 =	sand.u32 $0x10, s1  }
0x4: {  	s1 =	sor.u32 s0, s1  }
0x5: {  	s6 =	rddreg [dreg:$0x0];
	s4 =	simm.s32 $0x1;
	s2 =	sshll.u32 s1, $0x7  }
0x6: {  	s7 =	simm.s32 $0x2;
	s12 =	simm.s32 $0x0;
	s1 =	ssub.s32 $0x1000, s2  }
0x7: {  	s8 =	simm.s32 $0x8000;
	s13 =	simm.s32 $0x0;
	s3 =	sand.u32 $0xF80, s1  }
0x8: {  	s9 =	simm.s32 $0x0;
	s5 =	sshrl.u32 s1, $0xC;
	p0 =	sne.s32 s3, $0x0  }
.Ltmp0:
0x9: {  	s1 =	rddreg [dreg:$0x2];
	s4 =	simm.s32 @!p0 $0x0;
	(pc) =	sbr.rel .LBB1_1-.Ltmp0, $4  }
0xa: {  	s11 =	simm.s32 $0x0;
	s3 =	rddreg [dreg:$0x1];
	s5 =	sadd.s32 s4, s5  }
0xb: {  	_ =	strace $0x8000004D;
	s4 =	simm.s32 $0x1;
	s5 =	smul.u32 $0xC8, s5  }
0xc: {  	s6 =	sadd.s32 $0x327200, s6;
	s10 =	smov.u32 s2;
	[sflag:s4] =	ssyncpa.u1 $0x0  }
0xd: {  	p0 =	por $0x0, $0x0;
	[sflag:s7] =	ssyncpa.u1 $0x0;
	s7 =	sor.u32 $0x1, s5  }
.LBB1_4:
0xe: {  	s16 =	sshll.u32 s13, $0x3;
	s17 =	sand.u32 $0x78, s13  }
0xf: {  	s30 =	sand.u32 $0x7E00, s13;
	s12 =	sshll.u32 s12, $0xF;
	s16 =	sand.u32 $0xC00, s16  }
0x10: {  	[tilespmem:s15+$0x810 ss:$0x81] =	vst.msk $0xffff, v2;
	s31 =	sand.u32 $0x7, s13;
	s16 =	sor.u32 s17, s16;
	s17 =	sadd.s32 s3, s30  }
0x11: {  	[tilespmem:s15+$0x1020 ss:$0x81] =	vst.msk $0xffff, v0;
	s13 =	sshll.u32 s31, $0x12;
	s12 =	sadd.s32 s12, s17;
	s16 =	sshrl.u32 s16, $0x3  }
0x12: {  	[tilespmem:s15+$0x0 ss:$0x81] =	vst.msk $0xffff, v1;
	s13 =	sor.u32 $0x400, s13;
	s12 =	sadd.s32 s16, s12  }
0x13: {  	[hbm4b:s12+s13] =	stream.strided.scatter [tilespmem:s14], [sflag:$0x2], $0x2000, s8, s13, $0x20;
	[tilespmem:$0x8080] =	vst v63  }
.LBB1_5:
0x14: {  	s14 =	sadd.s32 $0x1, s9  }
0x15: {  	s12 =	sadd.s32 $0x1000, s10;
	s16 =	smov.u32 s10;
	p2 =	sgt.s32 s14, $0xC7  }
0x16: {  	s16 =	smov.u32 @p2 s12  }
0x17: {  	s14 =	simm.s32 @p2 $0x0;
	p2 =	sgt.s32 s16, $0xFFF  }
0x18: {  	s16 =	smov.u32 @p2 s2;
	p2 =	sne.s32 s11, s7  }
.Ltmp1:
0x19: {  	p1 =	slt.u32 s11, $0x2;
	(pc) =	sbr.rel @!p2 .LBB1_6-.Ltmp1, $4  }
0x1a: {  	s15 =	simm.s32 @!p1 $0x2  }
0x1b: {  	s13 =	smov.u32 s10;
	p0 =	por !p0, !p0;
	_ =	swait.ge @!p1 [sflag:s15], $0x2000  }
0x1c: {  	s12 =	smov.u32 s9;
	[sflag:s15] =	ssyncset.done @!p1 $0x0;
	s9 =	smov.u32 s14  }
0x1d: {  	s11 =	sadd.s32 $0x1, s11;
	[sflag:s15] =	ssyncadd.s32 @!p1 $0xFFFFE000;
	s10 =	smov.u32 s16  }
.LBB1_1:
0x1e: {  	p1 =	sge.u32 s11, s5  }
0x1f: {  	s14 =	sand.u32 @!p1 $0x1FFFFFF, s9  }
0x20: {  	s15 =	smulhi.u32 @!p1 $0x147AE15, s14;
	_ =	sdelay $0x1  }
0x21: {  	s15 =	smul.u32 @!p1 $0xC8, s15  }
0x22: {  	s16 =	sxor.u32 @!p1 $0xFFFFFFFF, s11;
	s17 =	smul.u32 @!p1 $0xC80, s10  }
0x23: {  	s31 =	sadd.s32 $0xFFFFFFFF, s11;
	s16 =	sshll.u32 @!p1 s16, $0xD;
	s14 =	ssub.s32 @!p1 s14, s15  }
0x24: {  	s15 =	sand.u32 @!p1 $0x2000, s16;
	s16 =	sadd.s32 @!p1 s6, s17;
	s14 =	sshll.u32 @!p1 s14, $0x4  }
0x25: {  	s17 =	simm.s32 @!p1 $0x6400;
	s14 =	sadd.s32 @!p1 s14, s16;
	s16 =	simm.s32 @!p1 $0x40  }
0x26: {  	[tilespmem:s15], [sflag:$0x1] =	stream.strided.gather @!p1 [hbm4b:s14+s16], $0x2000, s17, s16, $0x38;
	[tilespmem:$0x8080] =	vst v63  }
0x27: {  	p1 =	sge.u32 s31, s5  }
.Ltmp2:
0x28: {  	_ = 	snop;
	(pc) =	sbr.rel @p1 .LBB1_5-.Ltmp2, $1  }
0x29: {  	_ =	sdelay $0x3  }
0x2a: {  	s14 =	simm.s32 $0x1  }
0x2b: {  	_ =	swait.ge [sflag:s4], $0x2000;
	s14 =	simm.s32 @!p0 $0x0  }
0x2c: {  	[sflag:s4] =	ssyncset.done $0x0;
	s15 =	sshll.u32 s14, $0xD  }
0x2d: {  	[sflag:s4] =	ssyncadd.s32 $0xFFFFE000;
	s18 =	sor.u32 $0x20, s15  }
0x2e: {  	s14 =	smul.u32 $0x8100, s14;
	v3 =	vld [tilespmem:s18+$0x10]  }
0x2f: {  	s30 =	sand.u32 $0x1, s11;
	v2 =	vld [tilespmem:s18+$0xFFFFFFF0]  }
0x30: {  	s15 =	smul.u32 $0x8100, s30;
	s14 =	sshrl.u32 s14, $0x2;
	v0 =	vld [tilespmem:s18+$0x0]  }
0x31: {  	v1 =	vld [tilespmem:s18+$0xFFFFFFE0];
	s16 =	sor.u32 $0x4000, s14  }
0x32: {  	s31 =	sshrl.u32 s15, $0x2;
	s15 =	sadd.s32 $0x0, s16  }
0x33: {  	s17 =	simm.s32 $0x4;
	s18 =	sadd.s32 $0x40, s18;
	s14 =	sor.u32 $0x4000, s31;
	[tilespmem:s15+$0x1830 ss:$0x81] =	vst.msk $0xffff, v3  }
.LBB1_3:
0x34: {  	v3 =	vld [tilespmem:s18+$0x10];
	p1 =	sne.s32 s17, $0x1FC;
	[tilespmem:s15+$0x810 ss:$0x81] =	vst.msk $0xffff, v2;
	s19 =	smov.u32 s17;
	s17 =	sadd.s32 $0x4, s17  }
.Ltmp3:
0x35: {  	v2 =	vld [tilespmem:s18+$0xFFFFFFF0];
	[tilespmem:s15+$0x1020 ss:$0x81] =	vst.msk $0xffff, v0;
	(pc) =	sbr.rel @p1 .LBB1_3-.Ltmp3, $4  }
0x36: {  	v0 =	vld [tilespmem:s18+$0x0];
	[tilespmem:s15+$0x0 ss:$0x81] =	vst.msk $0xffff, v1  }
0x37: {  	s15 =	sshra.s32 s19, $0x2;
	v1 =	vld [tilespmem:s18+$0xFFFFFFE0]  }
0x38: {  	s15 =	sadd.s32 s15, s16  }
0x39: {  	s18 =	sadd.s32 $0x40, s18;
	[tilespmem:s15+$0x1830 ss:$0x81] =	vst.msk $0xffff, v3  }
.Ltmp4:
0x3a: {  	_ = 	snop;
	(pc) =	sbr.rel .LBB1_4-.Ltmp4, $1  }
0x3b: {  	_ =	sdelay $0x3  }
.LBB1_6:
0x3c: {  	_ =	sfence.sel $0x180000  }
0x3d: {  	s2 =	simm.s32 $0x1;
	[bflag:$0x0] =	sbarrier.arrive $0xFFFF  }
0x3e: {  	s31 =	simm.s32 $0x2;
	[sflag:s2] =	ssyncpa.u1 $0x1  }
0x3f: {  	[sflag:s31] =	ssyncpa.u1 $0x1  }
0x40: {  	p0 =	sne.s32 s0, $0x0;
	_ =	strace $0x9000004D  }
0x41: {  	s0 =	sadd.s32 @!p0 $0x100000, s1;
	[bflag:$0x2] =	sbarrier.arrive $0xFFFF  }
0x42: {  	[sflag:s0] =	ssyncadd.tile.s32 @!p0 $0x1;
	_ =	shalt  }
.Lfunc_end1:
_tile_overlayer_lowered:
.L_overlay_start_2:
0x43: {  	(tag) =	ssettag $0x2  }
0x44: {  	s0 =	rddreg [dreg:$0x0];
	s2 =	stileid.u32  }
0x45: {  	s1 =	rddreg [dreg:$0x1];
	p0 =	sne.s32 s2, $0x0  }
0x46: {  	s3 =	rddreg [dreg:$0x2];
	[bflag:$0x3] =	sbarrier.arrive $0xFFFF;
	s2 =	simm.s32 @!p0 $0x1C01  }
0x47: {  	[timem:s3], [sflag:s2] =	dma.local @!p0 [hbm:s0], s1  }
0x48: {  	s0 =	simm.s32 @!p0 $0x1  }
0x49: {  	_ =	swait.ge @!p0 [sflag:s0], s1  }
0x4a: {  	s1 =	ssub.s32 @!p0 $0x0, s1;
	[sflag:s0] =	ssyncset.done @!p0 $0x0  }
0x4b: {  	[sflag:s0] =	ssyncadd.s32 @!p0 s1  }
0x4c: {  	[bflag:$0x3] =	sbarrier.arrive $0xFFFF  }
0x4d: {  	_ =	shalt  }

</sc_bundles>
